<compile_context>
chip_gen: v7x
topology: tpu7x:2x2x1
jax: 0.10.2.dev20260603
libtpu: 0.0.44.dev20260713+nightly
codegen_flags: <defaults>
</compile_context>

<pallas_src>
import functools

import jax
import jax.numpy as jnp
from jax import lax
from jax.experimental import pallas as pl
from jax.experimental.pallas import tpu as pltpu
from jax.experimental.pallas import tpu_sc as plsc

_N = 10000
_E = 320000
_D = 128

_NC = 2
_NS = 16
_NW = _NC * _NS
_CH = 128
_CPW = 80
_EPAD = _NW * _CPW * _CH
_NACC = _N + 128
_NB = 2
_NI = 8
_ROWS_MAIN = 624
_ROWS_LAST = _NACC - 15 * _ROWS_MAIN
_ZROWS = 48


def _agg_body(x_hbm, src_hbm, dst_hbm, out_hbm, acc_sh, *bufs):
    srcs = bufs[:_NI]
    dsts = bufs[_NI:2 * _NI]
    rows = bufs[2 * _NI:2 * _NI + _NB]
    zero_v = bufs[2 * _NI + _NB]
    o = 2 * _NI + _NB + 1
    ssems = bufs[o:o + _NI]
    dsems = bufs[o + _NI:o + 2 * _NI]
    gsems = bufs[o + 2 * _NI:o + 2 * _NI + _NB]
    wsems = bufs[o + 2 * _NI + _NB:]

    c = lax.axis_index("c")
    s = lax.axis_index("s")
    wid = c * _NS + s

    for b in range(_NI - 2):
        pltpu.async_copy(
            src_hbm.at[pl.ds((wid + b * _NW) * _CH, _CH)], srcs[b], ssems[b])
        pltpu.async_copy(
            dst_hbm.at[pl.ds((wid + b * _NW) * _CH, _CH)], dsts[b], dsems[b])

    zvec = jnp.zeros((16,), jnp.float32)

    def zrow(i, carry):
        for j in range(8):
            zero_v[i, pl.ds(j * 16, 16)] = zvec
        return carry

    lax.fori_loop(0, _ZROWS, zrow, 0)
    rbase = s * _ROWS_MAIN
    nz = _ROWS_MAIN // _ZROWS
    for k in range(nz):
        pltpu.async_copy(
            zero_v, acc_sh.at[pl.ds(rbase + k * _ZROWS, _ZROWS)],
            wsems[k % _NB])

    @pl.when(s == _NS - 1)
    def _zero_tail():
        for k in range((_ROWS_LAST - _ROWS_MAIN) // _ZROWS):
            pltpu.async_copy(
                zero_v,
                acc_sh.at[pl.ds(rbase + _ROWS_MAIN + k * _ZROWS, _ZROWS)],
                wsems[(nz + k) % _NB])

    for k in range(nz):
        pltpu.make_async_copy(
            zero_v, acc_sh.at[pl.ds(rbase + k * _ZROWS, _ZROWS)],
            wsems[k % _NB]).wait()

    @pl.when(s == _NS - 1)
    def _zero_tail_drain():
        for k in range((_ROWS_LAST - _ROWS_MAIN) // _ZROWS):
            pltpu.make_async_copy(
                zero_v,
                acc_sh.at[pl.ds(rbase + _ROWS_MAIN + k * _ZROWS, _ZROWS)],
                wsems[(nz + k) % _NB]).wait()

    plsc.subcore_barrier()

    def group(g, carry):
        for b in range(_NI):
            i = g * _NI + b
            db = b % _NB

            @pl.when(i >= _NB)
            def _drain():
                pltpu.make_async_copy(
                    rows[db], acc_sh.at[dsts[(b - _NB) % _NI]],
                    wsems[db]).wait()

            @pl.when(i + _NI - 2 < _CPW)
            def _loads():
                pltpu.async_copy(
                    src_hbm.at[pl.ds((wid + (i + _NI - 2) * _NW) * _CH, _CH)],
                    srcs[(b - 2) % _NI], ssems[(b - 2) % _NI])
                pltpu.async_copy(
                    dst_hbm.at[pl.ds((wid + (i + _NI - 2) * _NW) * _CH, _CH)],
                    dsts[(b - 2) % _NI], dsems[(b - 2) % _NI])

            pltpu.make_async_copy(
                src_hbm.at[pl.ds((wid + i * _NW) * _CH, _CH)],
                srcs[b], ssems[b]).wait()
            pltpu.async_copy(x_hbm.at[srcs[b]], rows[db], gsems[db])
            pltpu.make_async_copy(
                x_hbm.at[srcs[b]], rows[db], gsems[db]).wait()
            pltpu.make_async_copy(
                dst_hbm.at[pl.ds((wid + i * _NW) * _CH, _CH)],
                dsts[b], dsems[b]).wait()
            pltpu.async_copy(rows[db], acc_sh.at[dsts[b]], wsems[db],
                             add=True)
        return carry

    lax.fori_loop(0, _CPW // _NI, group, 0)
    for k in range(_NB):
        i = _CPW - _NB + k
        pltpu.make_async_copy(
            rows[i % _NB], acc_sh.at[dsts[i % _NI]], wsems[i % _NB]).wait()
    plsc.subcore_barrier()

    @pl.when(s < _NS - 1)
    def _copy_main():
        pltpu.sync_copy(acc_sh.at[pl.ds(rbase, _ROWS_MAIN)],
                        out_hbm.at[c, pl.ds(rbase, _ROWS_MAIN)])

    @pl.when(s == _NS - 1)
    def _copy_last():
        pltpu.sync_copy(acc_sh.at[pl.ds(rbase, _ROWS_LAST)],
                        out_hbm.at[c, pl.ds(rbase, _ROWS_LAST)])


_agg_call_cache = []


def _agg_call(x, src, dst):
    if not _agg_call_cache:
        _agg_call_cache.append(functools.partial(
            pl.kernel,
            out_type=jax.ShapeDtypeStruct((_NC, _NACC, _D), jnp.float32),
            mesh=plsc.VectorSubcoreMesh(
                core_axis_name="c", subcore_axis_name="s",
                num_cores=_NC, num_subcores=_NS),
            scratch_types=(
                [pltpu.VMEM_SHARED((_NACC, _D), jnp.float32)]
                + [pltpu.VMEM((_CH,), jnp.int32) for _ in range(2 * _NI)]
                + [pltpu.VMEM((_CH, _D), jnp.float32) for _ in range(_NB)]
                + [pltpu.VMEM((_ZROWS, _D), jnp.float32)]
                + [pltpu.SemaphoreType.DMA for _ in range(2 * _NI + 2 * _NB)]
            ),
        )(_agg_body))
    return _agg_call_cache[0](x, src, dst)


def _mlp_body(x_ref, agg_ref, w1_ref, b1_ref, g_ref, be_ref, w2_ref, b2_ref,
              o_ref):
    h = x_ref[...] + agg_ref[0, :_N, :] + agg_ref[1, :_N, :]
    z = jnp.dot(h, w1_ref[...], preferred_element_type=jnp.float32)
    z = z + b1_ref[...]
    mu = jnp.mean(z, axis=0, keepdims=True)
    d = z - mu
    var = jnp.mean(d * d, axis=0, keepdims=True)
    zn = d * lax.rsqrt(var + 1e-5) * g_ref[...] + be_ref[...]
    zr = jnp.maximum(zn, 0.0)
    o_ref[...] = jnp.dot(zr, w2_ref[...],
                         preferred_element_type=jnp.float32) + b2_ref[...]


def kernel(x, edge_index, W1, b1, gamma, beta, W2, b2):
    pad = _EPAD - _E
    padi = jnp.arange(pad, dtype=jnp.int32)
    src = jnp.concatenate([edge_index[0], padi % _N])
    dst = jnp.concatenate([edge_index[1], _N + padi % 128])
    agg = _agg_call(x, src, dst)
    hid = W1.shape[1]
    return pl.pallas_call(
        _mlp_body,
        out_shape=jax.ShapeDtypeStruct((x.shape[0], W2.shape[1]), jnp.float32),
    )(x, agg, W1, b1.reshape(1, hid), gamma.reshape(1, hid),
      beta.reshape(1, hid), W2, b2.reshape(1, W2.shape[1]))

# --- scband reference (transcript-rebuilt; emitter-appended) ---
"""Pipeline reference for scband-ginconvolution-20804821581899 (READ-ONLY COPY).

The authoritative reference and input builder live on the scoring server;
editing this copy changes nothing except your own understanding.
"""

import jax, jax.numpy as jnp
import numpy as np

N = 10000
E = 320000
D_IN = 128
HID = 200
D_OUT = 128
EPS = 0.0


def setup_inputs(seed: int = 0) -> dict:
    key = jax.random.key(seed)
    ks = jax.random.split(key, 8)
    x = jax.random.normal(ks[0], (N, D_IN), dtype=jnp.float32)
    edge_index = jax.random.randint(ks[1], (2, E), 0, N, dtype=jnp.int32)
    W1 = jax.random.normal(ks[2], (D_IN, HID), dtype=jnp.float32) * (1.0 / np.sqrt(D_IN))
    b1 = jnp.zeros((HID,), dtype=jnp.float32)
    gamma = jnp.ones((HID,), dtype=jnp.float32)
    beta = jnp.zeros((HID,), dtype=jnp.float32)
    W2 = jax.random.normal(ks[3], (HID, D_OUT), dtype=jnp.float32) * (1.0 / np.sqrt(HID))
    b2 = jnp.zeros((D_OUT,), dtype=jnp.float32)
    return {"x": x, "edge_index": edge_index, "W1": W1, "b1": b1, "gamma": gamma, "beta": beta, "W2": W2, "b2": b2}


def reference(x, edge_index, W1, b1, gamma, beta, W2, b2):
    # dropout_rate = 0.0 -> identity
    src = edge_index[0]
    dst = edge_index[1]
    # support.mm(x) as sparse adjacency matmul: out[dst] += x[src]
    agg = jax.ops.segment_sum(jnp.take(x, src, axis=0), dst, num_segments=N)
    h = (1.0 + EPS) * x + agg
    # MLP_for_GIN (2 layers): Linear -> BatchNorm(batch stats) -> ReLU -> Linear
    z = h @ W1 + b1
    mean = jnp.mean(z, axis=0)
    var = jnp.var(z, axis=0)
    z = (z - mean) / jnp.sqrt(var + 1e-5) * gamma + beta
    z = jax.nn.relu(z)
    out = z @ W2 + b2
    return out

if __name__ == "__main__":
    import jax
    _d = setup_inputs()
    print(jax.jit(kernel)(*tuple(_d.values())))

</pallas_src>

<mosaic_0001>
#map = affine_map<(d0, d1) -> (0, 0)>
#map1 = affine_map<(d0, d1) -> (0)>
#map2 = affine_map<(d0, d1) -> (0, 0, 0)>
module attributes {stable_mosaic.version = 14 : i64} {
  func.func @_agg_body(%arg0: i32, %arg1: i32, %arg2: memref<10000x128xf32, #tpu.memory_space<hbm>>, %arg3: memref<327680xi32, #tpu.memory_space<hbm>>, %arg4: memref<327680xi32, #tpu.memory_space<hbm>>, %arg5: memref<2x10128x128xf32, #tpu.memory_space<hbm>>, %arg6: memref<10128x128xf32, #tpu.memory_space<vmem_shared>>, %arg7: memref<128xi32, #tpu.memory_space<vmem>>, %arg8: memref<128xi32, #tpu.memory_space<vmem>>, %arg9: memref<128xi32, #tpu.memory_space<vmem>>, %arg10: memref<128xi32, #tpu.memory_space<vmem>>, %arg11: memref<128xi32, #tpu.memory_space<vmem>>, %arg12: memref<128xi32, #tpu.memory_space<vmem>>, %arg13: memref<128xi32, #tpu.memory_space<vmem>>, %arg14: memref<128xi32, #tpu.memory_space<vmem>>, %arg15: memref<128xi32, #tpu.memory_space<vmem>>, %arg16: memref<128xi32, #tpu.memory_space<vmem>>, %arg17: memref<128xi32, #tpu.memory_space<vmem>>, %arg18: memref<128xi32, #tpu.memory_space<vmem>>, %arg19: memref<128xi32, #tpu.memory_space<vmem>>, %arg20: memref<128xi32, #tpu.memory_space<vmem>>, %arg21: memref<128xi32, #tpu.memory_space<vmem>>, %arg22: memref<128xi32, #tpu.memory_space<vmem>>, %arg23: memref<128x128xf32, #tpu.memory_space<vmem>>, %arg24: memref<128x128xf32, #tpu.memory_space<vmem>>, %arg25: memref<48x128xf32, #tpu.memory_space<vmem>>, %arg26: memref<!tpu.dma_semaphore, #tpu.memory_space<semaphore_mem>>, %arg27: memref<!tpu.dma_semaphore, #tpu.memory_space<semaphore_mem>>, %arg28: memref<!tpu.dma_semaphore, #tpu.memory_space<semaphore_mem>>, %arg29: memref<!tpu.dma_semaphore, #tpu.memory_space<semaphore_mem>>, %arg30: memref<!tpu.dma_semaphore, #tpu.memory_space<semaphore_mem>>, %arg31: memref<!tpu.dma_semaphore, #tpu.memory_space<semaphore_mem>>, %arg32: memref<!tpu.dma_semaphore, #tpu.memory_space<semaphore_mem>>, %arg33: memref<!tpu.dma_semaphore, #tpu.memory_space<semaphore_mem>>, %arg34: memref<!tpu.dma_semaphore, #tpu.memory_space<semaphore_mem>>, %arg35: memref<!tpu.dma_semaphore, #tpu.memory_space<semaphore_mem>>, %arg36: memref<!tpu.dma_semaphore, #tpu.memory_space<semaphore_mem>>, %arg37: memref<!tpu.dma_semaphore, #tpu.memory_space<semaphore_mem>>, %arg38: memref<!tpu.dma_semaphore, #tpu.memory_space<semaphore_mem>>, %arg39: memref<!tpu.dma_semaphore, #tpu.memory_space<semaphore_mem>>, %arg40: memref<!tpu.dma_semaphore, #tpu.memory_space<semaphore_mem>>, %arg41: memref<!tpu.dma_semaphore, #tpu.memory_space<semaphore_mem>>, %arg42: memref<!tpu.dma_semaphore, #tpu.memory_space<semaphore_mem>>, %arg43: memref<!tpu.dma_semaphore, #tpu.memory_space<semaphore_mem>>, %arg44: memref<!tpu.dma_semaphore, #tpu.memory_space<semaphore_mem>>, %arg45: memref<!tpu.dma_semaphore, #tpu.memory_space<semaphore_mem>>) attributes {dimension_semantics = [#tpu.dimension_semantics<core_parallel>, #tpu.dimension_semantics<subcore_parallel>], iteration_bounds = array<i64: 2, 16>, scalar_prefetch = 0 : i64, scratch_operands = 40 : i64, tpu.core_type = #tpu.core_type<sc_vector_subcore>, window_params = [{transform_indices = #map}, {transform_indices = #map1}, {transform_indices = #map1}, {transform_indices = #map2}]} {
    %mul3A = arith.constant 16 : i32
    %mul3A_0 = arith.muli %arg0, %mul3A : i32
    %add3A = arith.addi %mul3A_0, %arg1 : i32
    %add3A_1 = arith.constant 0 : i32
    %add3A_2 = arith.addi %add3A, %add3A_1 : i32
    %mul3A_3 = arith.constant 128 : i32
    %mul3A_4 = arith.muli %add3A_2, %mul3A_3 : i32
    %dma_start3A = tpu.memref_slice %arg3[%mul3A_4] : memref<327680xi32, #tpu.memory_space<hbm>> -> memref<128xi32, #tpu.memory_space<hbm>>
    %dma_start3A_5 = tpu.memref_slice %arg3[%mul3A_4] : memref<327680xi32, #tpu.memory_space<hbm>> -> memref<128xi32, #tpu.memory_space<hbm>>
    tpu.enqueue_dma source(%dma_start3A_5 : memref<128xi32, #tpu.memory_space<hbm>>) target(%arg7 : memref<128xi32, #tpu.memory_space<vmem>>) target_semaphore(%arg26 : memref<!tpu.dma_semaphore, #tpu.memory_space<semaphore_mem>>)
    %add3A_6 = arith.constant 0 : i32
    %add3A_7 = arith.addi %add3A, %add3A_6 : i32
    %mul3A_8 = arith.constant 128 : i32
    %mul3A_9 = arith.muli %add3A_7, %mul3A_8 : i32
    %dma_start3A_10 = tpu.memref_slice %arg4[%mul3A_9] : memref<327680xi32, #tpu.memory_space<hbm>> -> memref<128xi32, #tpu.memory_space<hbm>>
    %dma_start3A_11 = tpu.memref_slice %arg4[%mul3A_9] : memref<327680xi32, #tpu.memory_space<hbm>> -> memref<128xi32, #tpu.memory_space<hbm>>
    tpu.enqueue_dma source(%dma_start3A_11 : memref<128xi32, #tpu.memory_space<hbm>>) target(%arg15 : memref<128xi32, #tpu.memory_space<vmem>>) target_semaphore(%arg34 : memref<!tpu.dma_semaphore, #tpu.memory_space<semaphore_mem>>)
    %add3A_12 = arith.constant 32 : i32
    %add3A_13 = arith.addi %add3A, %add3A_12 : i32
    %mul3A_14 = arith.constant 128 : i32
    %mul3A_15 = arith.muli %add3A_13, %mul3A_14 : i32
    %dma_start3A_16 = tpu.memref_slice %arg3[%mul3A_15] : memref<327680xi32, #tpu.memory_space<hbm>> -> memref<128xi32, #tpu.memory_space<hbm>>
    %dma_start3A_17 = tpu.memref_slice %arg3[%mul3A_15] : memref<327680xi32, #tpu.memory_space<hbm>> -> memref<128xi32, #tpu.memory_space<hbm>>
    tpu.enqueue_dma source(%dma_start3A_17 : memref<128xi32, #tpu.memory_space<hbm>>) target(%arg8 : memref<128xi32, #tpu.memory_space<vmem>>) target_semaphore(%arg27 : memref<!tpu.dma_semaphore, #tpu.memory_space<semaphore_mem>>)
    %add3A_18 = arith.constant 32 : i32
    %add3A_19 = arith.addi %add3A, %add3A_18 : i32
    %mul3A_20 = arith.constant 128 : i32
    %mul3A_21 = arith.muli %add3A_19, %mul3A_20 : i32
    %dma_start3A_22 = tpu.memref_slice %arg4[%mul3A_21] : memref<327680xi32, #tpu.memory_space<hbm>> -> memref<128xi32, #tpu.memory_space<hbm>>
    %dma_start3A_23 = tpu.memref_slice %arg4[%mul3A_21] : memref<327680xi32, #tpu.memory_space<hbm>> -> memref<128xi32, #tpu.memory_space<hbm>>
    tpu.enqueue_dma source(%dma_start3A_23 : memref<128xi32, #tpu.memory_space<hbm>>) target(%arg16 : memref<128xi32, #tpu.memory_space<vmem>>) target_semaphore(%arg35 : memref<!tpu.dma_semaphore, #tpu.memory_space<semaphore_mem>>)
    %add3A_24 = arith.constant 64 : i32
    %add3A_25 = arith.addi %add3A, %add3A_24 : i32
    %mul3A_26 = arith.constant 128 : i32
    %mul3A_27 = arith.muli %add3A_25, %mul3A_26 : i32
    %dma_start3A_28 = tpu.memref_slice %arg3[%mul3A_27] : memref<327680xi32, #tpu.memory_space<hbm>> -> memref<128xi32, #tpu.memory_space<hbm>>
    %dma_start3A_29 = tpu.memref_slice %arg3[%mul3A_27] : memref<327680xi32, #tpu.memory_space<hbm>> -> memref<128xi32, #tpu.memory_space<hbm>>
    tpu.enqueue_dma source(%dma_start3A_29 : memref<128xi32, #tpu.memory_space<hbm>>) target(%arg9 : memref<128xi32, #tpu.memory_space<vmem>>) target_semaphore(%arg28 : memref<!tpu.dma_semaphore, #tpu.memory_space<semaphore_mem>>)
    %add3A_30 = arith.constant 64 : i32
    %add3A_31 = arith.addi %add3A, %add3A_30 : i32
    %mul3A_32 = arith.constant 128 : i32
    %mul3A_33 = arith.muli %add3A_31, %mul3A_32 : i32
    %dma_start3A_34 = tpu.memref_slice %arg4[%mul3A_33] : memref<327680xi32, #tpu.memory_space<hbm>> -> memref<128xi32, #tpu.memory_space<hbm>>
    %dma_start3A_35 = tpu.memref_slice %arg4[%mul3A_33] : memref<327680xi32, #tpu.memory_space<hbm>> -> memref<128xi32, #tpu.memory_space<hbm>>
    tpu.enqueue_dma source(%dma_start3A_35 : memref<128xi32, #tpu.memory_space<hbm>>) target(%arg17 : memref<128xi32, #tpu.memory_space<vmem>>) target_semaphore(%arg36 : memref<!tpu.dma_semaphore, #tpu.memory_space<semaphore_mem>>)
    %add3A_36 = arith.constant 96 : i32
    %add3A_37 = arith.addi %add3A, %add3A_36 : i32
    %mul3A_38 = arith.constant 128 : i32
    %mul3A_39 = arith.muli %add3A_37, %mul3A_38 : i32
    %dma_start3A_40 = tpu.memref_slice %arg3[%mul3A_39] : memref<327680xi32, #tpu.memory_space<hbm>> -> memref<128xi32, #tpu.memory_space<hbm>>
    %dma_start3A_41 = tpu.memref_slice %arg3[%mul3A_39] : memref<327680xi32, #tpu.memory_space<hbm>> -> memref<128xi32, #tpu.memory_space<hbm>>
    tpu.enqueue_dma source(%dma_start3A_41 : memref<128xi32, #tpu.memory_space<hbm>>) target(%arg10 : memref<128xi32, #tpu.memory_space<vmem>>) target_semaphore(%arg29 : memref<!tpu.dma_semaphore, #tpu.memory_space<semaphore_mem>>)
    %add3A_42 = arith.constant 96 : i32
    %add3A_43 = arith.addi %add3A, %add3A_42 : i32
    %mul3A_44 = arith.constant 128 : i32
    %mul3A_45 = arith.muli %add3A_43, %mul3A_44 : i32
    %dma_start3A_46 = tpu.memref_slice %arg4[%mul3A_45] : memref<327680xi32, #tpu.memory_space<hbm>> -> memref<128xi32, #tpu.memory_space<hbm>>
    %dma_start3A_47 = tpu.memref_slice %arg4[%mul3A_45] : memref<327680xi32, #tpu.memory_space<hbm>> -> memref<128xi32, #tpu.memory_space<hbm>>
    tpu.enqueue_dma source(%dma_start3A_47 : memref<128xi32, #tpu.memory_space<hbm>>) target(%arg18 : memref<128xi32, #tpu.memory_space<vmem>>) target_semaphore(%arg37 : memref<!tpu.dma_semaphore, #tpu.memory_space<semaphore_mem>>)
    %add3A_48 = arith.constant 128 : i32
    %add3A_49 = arith.addi %add3A, %add3A_48 : i32
    %mul3A_50 = arith.constant 128 : i32
    %mul3A_51 = arith.muli %add3A_49, %mul3A_50 : i32
    %dma_start3A_52 = tpu.memref_slice %arg3[%mul3A_51] : memref<327680xi32, #tpu.memory_space<hbm>> -> memref<128xi32, #tpu.memory_space<hbm>>
    %dma_start3A_53 = tpu.memref_slice %arg3[%mul3A_51] : memref<327680xi32, #tpu.memory_space<hbm>> -> memref<128xi32, #tpu.memory_space<hbm>>
    tpu.enqueue_dma source(%dma_start3A_53 : memref<128xi32, #tpu.memory_space<hbm>>) target(%arg11 : memref<128xi32, #tpu.memory_space<vmem>>) target_semaphore(%arg30 : memref<!tpu.dma_semaphore, #tpu.memory_space<semaphore_mem>>)
    %add3A_54 = arith.constant 128 : i32
    %add3A_55 = arith.addi %add3A, %add3A_54 : i32
    %mul3A_56 = arith.constant 128 : i32
    %mul3A_57 = arith.muli %add3A_55, %mul3A_56 : i32
    %dma_start3A_58 = tpu.memref_slice %arg4[%mul3A_57] : memref<327680xi32, #tpu.memory_space<hbm>> -> memref<128xi32, #tpu.memory_space<hbm>>
    %dma_start3A_59 = tpu.memref_slice %arg4[%mul3A_57] : memref<327680xi32, #tpu.memory_space<hbm>> -> memref<128xi32, #tpu.memory_space<hbm>>
    tpu.enqueue_dma source(%dma_start3A_59 : memref<128xi32, #tpu.memory_space<hbm>>) target(%arg19 : memref<128xi32, #tpu.memory_space<vmem>>) target_semaphore(%arg38 : memref<!tpu.dma_semaphore, #tpu.memory_space<semaphore_mem>>)
    %add3A_60 = arith.constant 160 : i32
    %add3A_61 = arith.addi %add3A, %add3A_60 : i32
    %mul3A_62 = arith.constant 128 : i32
    %mul3A_63 = arith.muli %add3A_61, %mul3A_62 : i32
    %dma_start3A_64 = tpu.memref_slice %arg3[%mul3A_63] : memref<327680xi32, #tpu.memory_space<hbm>> -> memref<128xi32, #tpu.memory_space<hbm>>
    %dma_start3A_65 = tpu.memref_slice %arg3[%mul3A_63] : memref<327680xi32, #tpu.memory_space<hbm>> -> memref<128xi32, #tpu.memory_space<hbm>>
    tpu.enqueue_dma source(%dma_start3A_65 : memref<128xi32, #tpu.memory_space<hbm>>) target(%arg12 : memref<128xi32, #tpu.memory_space<vmem>>) target_semaphore(%arg31 : memref<!tpu.dma_semaphore, #tpu.memory_space<semaphore_mem>>)
    %add3A_66 = arith.constant 160 : i32
    %add3A_67 = arith.addi %add3A, %add3A_66 : i32
    %mul3A_68 = arith.constant 128 : i32
    %mul3A_69 = arith.muli %add3A_67, %mul3A_68 : i32
    %dma_start3A_70 = tpu.memref_slice %arg4[%mul3A_69] : memref<327680xi32, #tpu.memory_space<hbm>> -> memref<128xi32, #tpu.memory_space<hbm>>
    %dma_start3A_71 = tpu.memref_slice %arg4[%mul3A_69] : memref<327680xi32, #tpu.memory_space<hbm>> -> memref<128xi32, #tpu.memory_space<hbm>>
    tpu.enqueue_dma source(%dma_start3A_71 : memref<128xi32, #tpu.memory_space<hbm>>) target(%arg20 : memref<128xi32, #tpu.memory_space<vmem>>) target_semaphore(%arg39 : memref<!tpu.dma_semaphore, #tpu.memory_space<semaphore_mem>>)
    %broadcast_in_dim3A = arith.constant 0.000000e+00 : f32
    %broadcast_in_dim3A_72 = vector.broadcast %broadcast_in_dim3A : f32 to vector<16xf32>
    %scan3A = arith.constant 0 : i32
    %scan3A_73 = arith.constant 0 : i32
    %scan3A_74 = arith.constant 48 : i32
    %scan3A_75 = arith.addi %scan3A_73, %scan3A_74 : i32
    %scan3A_76 = arith.constant 1 : i32
    scf.for %scan3A_264 = %scan3A_73 to %scan3A_75 step %scan3A_76  : i32 {
      %swap3A = arith.index_cast %scan3A_264 : i32 to index
      %swap3A_265 = arith.constant 0 : index
      %swap3A_266 = tpu.vector_load %arg25[%swap3A, %swap3A_265] {strides = array<i32>} : memref<48x128xf32, #tpu.memory_space<vmem>>, vector<1x16xf32>,
      %swap3A_267 = vector.shape_cast %swap3A_266 : vector<1x16xf32> to vector<16xf32>
      %swap3A_268 = vector.shape_cast %broadcast_in_dim3A_72 : vector<16xf32> to vector<1x16xf32>
      tpu.vector_store %arg25[%swap3A, %swap3A_265], %swap3A_268 {strides = array<i32>} : memref<48x128xf32, #tpu.memory_space<vmem>>, vector<1x16xf32>,
      %swap3A_269 = arith.index_cast %scan3A_264 : i32 to index
      %swap3A_270 = arith.constant 16 : index
      %swap3A_271 = tpu.vector_load %arg25[%swap3A_269, %swap3A_270] {strides = array<i32>} : memref<48x128xf32, #tpu.memory_space<vmem>>, vector<1x16xf32>,
      %swap3A_272 = vector.shape_cast %swap3A_271 : vector<1x16xf32> to vector<16xf32>
      %swap3A_273 = vector.shape_cast %broadcast_in_dim3A_72 : vector<16xf32> to vector<1x16xf32>
      tpu.vector_store %arg25[%swap3A_269, %swap3A_270], %swap3A_273 {strides = array<i32>} : memref<48x128xf32, #tpu.memory_space<vmem>>, vector<1x16xf32>,
      %swap3A_274 = arith.index_cast %scan3A_264 : i32 to index
      %swap3A_275 = arith.constant 32 : index
      %swap3A_276 = tpu.vector_load %arg25[%swap3A_274, %swap3A_275] {strides = array<i32>} : memref<48x128xf32, #tpu.memory_space<vmem>>, vector<1x16xf32>,
      %swap3A_277 = vector.shape_cast %swap3A_276 : vector<1x16xf32> to vector<16xf32>
      %swap3A_278 = vector.shape_cast %broadcast_in_dim3A_72 : vector<16xf32> to vector<1x16xf32>
      tpu.vector_store %arg25[%swap3A_274, %swap3A_275], %swap3A_278 {strides = array<i32>} : memref<48x128xf32, #tpu.memory_space<vmem>>, vector<1x16xf32>,
      %swap3A_279 = arith.index_cast %scan3A_264 : i32 to index
      %swap3A_280 = arith.constant 48 : index
      %swap3A_281 = tpu.vector_load %arg25[%swap3A_279, %swap3A_280] {strides = array<i32>} : memref<48x128xf32, #tpu.memory_space<vmem>>, vector<1x16xf32>,
      %swap3A_282 = vector.shape_cast %swap3A_281 : vector<1x16xf32> to vector<16xf32>
      %swap3A_283 = vector.shape_cast %broadcast_in_dim3A_72 : vector<16xf32> to vector<1x16xf32>
      tpu.vector_store %arg25[%swap3A_279, %swap3A_280], %swap3A_283 {strides = array<i32>} : memref<48x128xf32, #tpu.memory_space<vmem>>, vector<1x16xf32>,
      %swap3A_284 = arith.index_cast %scan3A_264 : i32 to index
      %swap3A_285 = arith.constant 64 : index
      %swap3A_286 = tpu.vector_load %arg25[%swap3A_284, %swap3A_285] {strides = array<i32>} : memref<48x128xf32, #tpu.memory_space<vmem>>, vector<1x16xf32>,
      %swap3A_287 = vector.shape_cast %swap3A_286 : vector<1x16xf32> to vector<16xf32>
      %swap3A_288 = vector.shape_cast %broadcast_in_dim3A_72 : vector<16xf32> to vector<1x16xf32>
      tpu.vector_store %arg25[%swap3A_284, %swap3A_285], %swap3A_288 {strides = array<i32>} : memref<48x128xf32, #tpu.memory_space<vmem>>, vector<1x16xf32>,
      %swap3A_289 = arith.index_cast %scan3A_264 : i32 to index
      %swap3A_290 = arith.constant 80 : index
      %swap3A_291 = tpu.vector_load %arg25[%swap3A_289, %swap3A_290] {strides = array<i32>} : memref<48x128xf32, #tpu.memory_space<vmem>>, vector<1x16xf32>,
      %swap3A_292 = vector.shape_cast %swap3A_291 : vector<1x16xf32> to vector<16xf32>
      %swap3A_293 = vector.shape_cast %broadcast_in_dim3A_72 : vector<16xf32> to vector<1x16xf32>
      tpu.vector_store %arg25[%swap3A_289, %swap3A_290], %swap3A_293 {strides = array<i32>} : memref<48x128xf32, #tpu.memory_space<vmem>>, vector<1x16xf32>,
      %swap3A_294 = arith.index_cast %scan3A_264 : i32 to index
      %swap3A_295 = arith.constant 96 : index
      %swap3A_296 = tpu.vector_load %arg25[%swap3A_294, %swap3A_295] {strides = array<i32>} : memref<48x128xf32, #tpu.memory_space<vmem>>, vector<1x16xf32>,
      %swap3A_297 = vector.shape_cast %swap3A_296 : vector<1x16xf32> to vector<16xf32>
      %swap3A_298 = vector.shape_cast %broadcast_in_dim3A_72 : vector<16xf32> to vector<1x16xf32>
      tpu.vector_store %arg25[%swap3A_294, %swap3A_295], %swap3A_298 {strides = array<i32>} : memref<48x128xf32, #tpu.memory_space<vmem>>, vector<1x16xf32>,
      %swap3A_299 = arith.index_cast %scan3A_264 : i32 to index
      %swap3A_300 = arith.constant 112 : index
      %swap3A_301 = tpu.vector_load %arg25[%swap3A_299, %swap3A_300] {strides = array<i32>} : memref<48x128xf32, #tpu.memory_space<vmem>>, vector<1x16xf32>,
      %swap3A_302 = vector.shape_cast %swap3A_301 : vector<1x16xf32> to vector<16xf32>
      %swap3A_303 = vector.shape_cast %broadcast_in_dim3A_72 : vector<16xf32> to vector<1x16xf32>
      tpu.vector_store %arg25[%swap3A_299, %swap3A_300], %swap3A_303 {strides = array<i32>} : memref<48x128xf32, #tpu.memory_space<vmem>>, vector<1x16xf32>,
    }
    %scan3A_77 = arith.constant 48 : i32
    %mul3A_78 = arith.constant 624 : i32
    %mul3A_79 = arith.muli %arg1, %mul3A_78 : i32
    %add3A_80 = arith.constant 0 : i32
    %add3A_81 = arith.addi %mul3A_79, %add3A_80 : i32
    %dma_start3A_82 = arith.constant 0 : i32
    %dma_start3A_83 = tpu.memref_slice %arg6[%add3A_81, %dma_start3A_82] : memref<10128x128xf32, #tpu.memory_space<vmem_shared>> -> memref<48x128xf32, #tpu.memory_space<vmem_shared>>
    %dma_start3A_84 = arith.constant 0 : i32
    %dma_start3A_85 = tpu.memref_slice %arg6[%add3A_81, %dma_start3A_84] : memref<10128x128xf32, #tpu.memory_space<vmem_shared>> -> memref<48x128xf32, #tpu.memory_space<vmem_shared>>
    tpu.enqueue_dma source(%arg25 : memref<48x128xf32, #tpu.memory_space<vmem>>) target(%dma_start3A_85 : memref<48x128xf32, #tpu.memory_space<vmem_shared>>) target_semaphore(%arg44 : memref<!tpu.dma_semaphore, #tpu.memory_space<semaphore_mem>>)
    %add3A_86 = arith.constant 48 : i32
    %add3A_87 = arith.addi %mul3A_79, %add3A_86 : i32
    %dma_start3A_88 = arith.constant 0 : i32
    %dma_start3A_89 = tpu.memref_slice %arg6[%add3A_87, %dma_start3A_88] : memref<10128x128xf32, #tpu.memory_space<vmem_shared>> -> memref<48x128xf32, #tpu.memory_space<vmem_shared>>
    %dma_start3A_90 = arith.constant 0 : i32
    %dma_start3A_91 = tpu.memref_slice %arg6[%add3A_87, %dma_start3A_90] : memref<10128x128xf32, #tpu.memory_space<vmem_shared>> -> memref<48x128xf32, #tpu.memory_space<vmem_shared>>
    tpu.enqueue_dma source(%arg25 : memref<48x128xf32, #tpu.memory_space<vmem>>) target(%dma_start3A_91 : memref<48x128xf32, #tpu.memory_space<vmem_shared>>) target_semaphore(%arg45 : memref<!tpu.dma_semaphore, #tpu.memory_space<semaphore_mem>>)
    %add3A_92 = arith.constant 96 : i32
    %add3A_93 = arith.addi %mul3A_79, %add3A_92 : i32
    %dma_start3A_94 = arith.constant 0 : i32
    %dma_start3A_95 = tpu.memref_slice %arg6[%add3A_93, %dma_start3A_94] : memref<10128x128xf32, #tpu.memory_space<vmem_shared>> -> memref<48x128xf32, #tpu.memory_space<vmem_shared>>
    %dma_start3A_96 = arith.constant 0 : i32
    %dma_start3A_97 = tpu.memref_slice %arg6[%add3A_93, %dma_start3A_96] : memref<10128x128xf32, #tpu.memory_space<vmem_shared>> -> memref<48x128xf32, #tpu.memory_space<vmem_shared>>
    tpu.enqueue_dma source(%arg25 : memref<48x128xf32, #tpu.memory_space<vmem>>) target(%dma_start3A_97 : memref<48x128xf32, #tpu.memory_space<vmem_shared>>) target_semaphore(%arg44 : memref<!tpu.dma_semaphore, #tpu.memory_space<semaphore_mem>>)
    %add3A_98 = arith.constant 144 : i32
    %add3A_99 = arith.addi %mul3A_79, %add3A_98 : i32
    %dma_start3A_100 = arith.constant 0 : i32
    %dma_start3A_101 = tpu.memref_slice %arg6[%add3A_99, %dma_start3A_100] : memref<10128x128xf32, #tpu.memory_space<vmem_shared>> -> memref<48x128xf32, #tpu.memory_space<vmem_shared>>
    %dma_start3A_102 = arith.constant 0 : i32
    %dma_start3A_103 = tpu.memref_slice %arg6[%add3A_99, %dma_start3A_102] : memref<10128x128xf32, #tpu.memory_space<vmem_shared>> -> memref<48x128xf32, #tpu.memory_space<vmem_shared>>
    tpu.enqueue_dma source(%arg25 : memref<48x128xf32, #tpu.memory_space<vmem>>) target(%dma_start3A_103 : memref<48x128xf32, #tpu.memory_space<vmem_shared>>) target_semaphore(%arg45 : memref<!tpu.dma_semaphore, #tpu.memory_space<semaphore_mem>>)
    %add3A_104 = arith.constant 192 : i32
    %add3A_105 = arith.addi %mul3A_79, %add3A_104 : i32
    %dma_start3A_106 = arith.constant 0 : i32
    %dma_start3A_107 = tpu.memref_slice %arg6[%add3A_105, %dma_start3A_106] : memref<10128x128xf32, #tpu.memory_space<vmem_shared>> -> memref<48x128xf32, #tpu.memory_space<vmem_shared>>
    %dma_start3A_108 = arith.constant 0 : i32
    %dma_start3A_109 = tpu.memref_slice %arg6[%add3A_105, %dma_start3A_108] : memref<10128x128xf32, #tpu.memory_space<vmem_shared>> -> memref<48x128xf32, #tpu.memory_space<vmem_shared>>
    tpu.enqueue_dma source(%arg25 : memref<48x128xf32, #tpu.memory_space<vmem>>) target(%dma_start3A_109 : memref<48x128xf32, #tpu.memory_space<vmem_shared>>) target_semaphore(%arg44 : memref<!tpu.dma_semaphore, #tpu.memory_space<semaphore_mem>>)
    %add3A_110 = arith.constant 240 : i32
    %add3A_111 = arith.addi %mul3A_79, %add3A_110 : i32
    %dma_start3A_112 = arith.constant 0 : i32
    %dma_start3A_113 = tpu.memref_slice %arg6[%add3A_111, %dma_start3A_112] : memref<10128x128xf32, #tpu.memory_space<vmem_shared>> -> memref<48x128xf32, #tpu.memory_space<vmem_shared>>
    %dma_start3A_114 = arith.constant 0 : i32
    %dma_start3A_115 = tpu.memref_slice %arg6[%add3A_111, %dma_start3A_114] : memref<10128x128xf32, #tpu.memory_space<vmem_shared>> -> memref<48x128xf32, #tpu.memory_space<vmem_shared>>
    tpu.enqueue_dma source(%arg25 : memref<48x128xf32, #tpu.memory_space<vmem>>) target(%dma_start3A_115 : memref<48x128xf32, #tpu.memory_space<vmem_shared>>) target_semaphore(%arg45 : memref<!tpu.dma_semaphore, #tpu.memory_space<semaphore_mem>>)
    %add3A_116 = arith.constant 288 : i32
    %add3A_117 = arith.addi %mul3A_79, %add3A_116 : i32
    %dma_start3A_118 = arith.constant 0 : i32
    %dma_start3A_119 = tpu.memref_slice %arg6[%add3A_117, %dma_start3A_118] : memref<10128x128xf32, #tpu.memory_space<vmem_shared>> -> memref<48x128xf32, #tpu.memory_space<vmem_shared>>
    %dma_start3A_120 = arith.constant 0 : i32
    %dma_start3A_121 = tpu.memref_slice %arg6[%add3A_117, %dma_start3A_120] : memref<10128x128xf32, #tpu.memory_space<vmem_shared>> -> memref<48x128xf32, #tpu.memory_space<vmem_shared>>
    tpu.enqueue_dma source(%arg25 : memref<48x128xf32, #tpu.memory_space<vmem>>) target(%dma_start3A_121 : memref<48x128xf32, #tpu.memory_space<vmem_shared>>) target_semaphore(%arg44 : memref<!tpu.dma_semaphore, #tpu.memory_space<semaphore_mem>>)
    %add3A_122 = arith.constant 336 : i32
    %add3A_123 = arith.addi %mul3A_79, %add3A_122 : i32
    %dma_start3A_124 = arith.constant 0 : i32
    %dma_start3A_125 = tpu.memref_slice %arg6[%add3A_123, %dma_start3A_124] : memref<10128x128xf32, #tpu.memory_space<vmem_shared>> -> memref<48x128xf32, #tpu.memory_space<vmem_shared>>
    %dma_start3A_126 = arith.constant 0 : i32
    %dma_start3A_127 = tpu.memref_slice %arg6[%add3A_123, %dma_start3A_126] : memref<10128x128xf32, #tpu.memory_space<vmem_shared>> -> memref<48x128xf32, #tpu.memory_space<vmem_shared>>
    tpu.enqueue_dma source(%arg25 : memref<48x128xf32, #tpu.memory_space<vmem>>) target(%dma_start3A_127 : memref<48x128xf32, #tpu.memory_space<vmem_shared>>) target_semaphore(%arg45 : memref<!tpu.dma_semaphore, #tpu.memory_space<semaphore_mem>>)
    %add3A_128 = arith.constant 384 : i32
    %add3A_129 = arith.addi %mul3A_79, %add3A_128 : i32
    %dma_start3A_130 = arith.constant 0 : i32
    %dma_start3A_131 = tpu.memref_slice %arg6[%add3A_129, %dma_start3A_130] : memref<10128x128xf32, #tpu.memory_space<vmem_shared>> -> memref<48x128xf32, #tpu.memory_space<vmem_shared>>
    %dma_start3A_132 = arith.constant 0 : i32
    %dma_start3A_133 = tpu.memref_slice %arg6[%add3A_129, %dma_start3A_132] : memref<10128x128xf32, #tpu.memory_space<vmem_shared>> -> memref<48x128xf32, #tpu.memory_space<vmem_shared>>
    tpu.enqueue_dma source(%arg25 : memref<48x128xf32, #tpu.memory_space<vmem>>) target(%dma_start3A_133 : memref<48x128xf32, #tpu.memory_space<vmem_shared>>) target_semaphore(%arg44 : memref<!tpu.dma_semaphore, #tpu.memory_space<semaphore_mem>>)
    %add3A_134 = arith.constant 432 : i32
    %add3A_135 = arith.addi %mul3A_79, %add3A_134 : i32
    %dma_start3A_136 = arith.constant 0 : i32
    %dma_start3A_137 = tpu.memref_slice %arg6[%add3A_135, %dma_start3A_136] : memref<10128x128xf32, #tpu.memory_space<vmem_shared>> -> memref<48x128xf32, #tpu.memory_space<vmem_shared>>
    %dma_start3A_138 = arith.constant 0 : i32
    %dma_start3A_139 = tpu.memref_slice %arg6[%add3A_135, %dma_start3A_138] : memref<10128x128xf32, #tpu.memory_space<vmem_shared>> -> memref<48x128xf32, #tpu.memory_space<vmem_shared>>
    tpu.enqueue_dma source(%arg25 : memref<48x128xf32, #tpu.memory_space<vmem>>) target(%dma_start3A_139 : memref<48x128xf32, #tpu.memory_space<vmem_shared>>) target_semaphore(%arg45 : memref<!tpu.dma_semaphore, #tpu.memory_space<semaphore_mem>>)
    %add3A_140 = arith.constant 480 : i32
    %add3A_141 = arith.addi %mul3A_79, %add3A_140 : i32
    %dma_start3A_142 = arith.constant 0 : i32
    %dma_start3A_143 = tpu.memref_slice %arg6[%add3A_141, %dma_start3A_142] : memref<10128x128xf32, #tpu.memory_space<vmem_shared>> -> memref<48x128xf32, #tpu.memory_space<vmem_shared>>
    %dma_start3A_144 = arith.constant 0 : i32
    %dma_start3A_145 = tpu.memref_slice %arg6[%add3A_141, %dma_start3A_144] : memref<10128x128xf32, #tpu.memory_space<vmem_shared>> -> memref<48x128xf32, #tpu.memory_space<vmem_shared>>
    tpu.enqueue_dma source(%arg25 : memref<48x128xf32, #tpu.memory_space<vmem>>) target(%dma_start3A_145 : memref<48x128xf32, #tpu.memory_space<vmem_shared>>) target_semaphore(%arg44 : memref<!tpu.dma_semaphore, #tpu.memory_space<semaphore_mem>>)
    %add3A_146 = arith.constant 528 : i32
    %add3A_147 = arith.addi %mul3A_79, %add3A_146 : i32
    %dma_start3A_148 = arith.constant 0 : i32
    %dma_start3A_149 = tpu.memref_slice %arg6[%add3A_147, %dma_start3A_148] : memref<10128x128xf32, #tpu.memory_space<vmem_shared>> -> memref<48x128xf32, #tpu.memory_space<vmem_shared>>
    %dma_start3A_150 = arith.constant 0 : i32
    %dma_start3A_151 = tpu.memref_slice %arg6[%add3A_147, %dma_start3A_150] : memref<10128x128xf32, #tpu.memory_space<vmem_shared>> -> memref<48x128xf32, #tpu.memory_space<vmem_shared>>
    tpu.enqueue_dma source(%arg25 : memref<48x128xf32, #tpu.memory_space<vmem>>) target(%dma_start3A_151 : memref<48x128xf32, #tpu.memory_space<vmem_shared>>) target_semaphore(%arg45 : memref<!tpu.dma_semaphore, #tpu.memory_space<semaphore_mem>>)
    %add3A_152 = arith.constant 576 : i32
    %add3A_153 = arith.addi %mul3A_79, %add3A_152 : i32
    %dma_start3A_154 = arith.constant 0 : i32
    %dma_start3A_155 = tpu.memref_slice %arg6[%add3A_153, %dma_start3A_154] : memref<10128x128xf32, #tpu.memory_space<vmem_shared>> -> memref<48x128xf32, #tpu.memory_space<vmem_shared>>
    %dma_start3A_156 = arith.constant 0 : i32
    %dma_start3A_157 = tpu.memref_slice %arg6[%add3A_153, %dma_start3A_156] : memref<10128x128xf32, #tpu.memory_space<vmem_shared>> -> memref<48x128xf32, #tpu.memory_space<vmem_shared>>
    tpu.enqueue_dma source(%arg25 : memref<48x128xf32, #tpu.memory_space<vmem>>) target(%dma_start3A_157 : memref<48x128xf32, #tpu.memory_space<vmem_shared>>) target_semaphore(%arg44 : memref<!tpu.dma_semaphore, #tpu.memory_space<semaphore_mem>>)
    %eq3A = arith.constant 15 : i32
    %eq3A_158 = arith.cmpi eq, %arg1, %eq3A : i32
    %convert_element_type3A = arith.extui %eq3A_158 : i1 to i32
    %cond3A = arith.constant 0 : i32
    %cond3A_159 = arith.cmpi ne, %convert_element_type3A, %cond3A : i32
    scf.if %cond3A_159 {
      %add3A_264 = arith.constant 624 : i32
      %add3A_265 = arith.addi %mul3A_79, %add3A_264 : i32
      %add3A_266 = arith.constant 0 : i32
      %add3A_267 = arith.addi %add3A_265, %add3A_266 : i32
      %dma_start3A_268 = arith.constant 0 : i32
      %dma_start3A_269 = tpu.memref_slice %arg6[%add3A_267, %dma_start3A_268] : memref<10128x128xf32, #tpu.memory_space<vmem_shared>> -> memref<48x128xf32, #tpu.memory_space<vmem_shared>>
      %dma_start3A_270 = arith.constant 0 : i32
      %dma_start3A_271 = tpu.memref_slice %arg6[%add3A_267, %dma_start3A_270] : memref<10128x128xf32, #tpu.memory_space<vmem_shared>> -> memref<48x128xf32, #tpu.memory_space<vmem_shared>>
      tpu.enqueue_dma source(%arg25 : memref<48x128xf32, #tpu.memory_space<vmem>>) target(%dma_start3A_271 : memref<48x128xf32, #tpu.memory_space<vmem_shared>>) target_semaphore(%arg45 : memref<!tpu.dma_semaphore, #tpu.memory_space<semaphore_mem>>)
      %add3A_272 = arith.constant 624 : i32
      %add3A_273 = arith.addi %mul3A_79, %add3A_272 : i32
      %add3A_274 = arith.constant 48 : i32
      %add3A_275 = arith.addi %add3A_273, %add3A_274 : i32
      %dma_start3A_276 = arith.constant 0 : i32
      %dma_start3A_277 = tpu.memref_slice %arg6[%add3A_275, %dma_start3A_276] : memref<10128x128xf32, #tpu.memory_space<vmem_shared>> -> memref<48x128xf32, #tpu.memory_space<vmem_shared>>
      %dma_start3A_278 = arith.constant 0 : i32
      %dma_start3A_279 = tpu.memref_slice %arg6[%add3A_275, %dma_start3A_278] : memref<10128x128xf32, #tpu.memory_space<vmem_shared>> -> memref<48x128xf32, #tpu.memory_space<vmem_shared>>
      tpu.enqueue_dma source(%arg25 : memref<48x128xf32, #tpu.memory_space<vmem>>) target(%dma_start3A_279 : memref<48x128xf32, #tpu.memory_space<vmem_shared>>) target_semaphore(%arg44 : memref<!tpu.dma_semaphore, #tpu.memory_space<semaphore_mem>>)
      %add3A_280 = arith.constant 624 : i32
      %add3A_281 = arith.addi %mul3A_79, %add3A_280 : i32
      %add3A_282 = arith.constant 96 : i32
      %add3A_283 = arith.addi %add3A_281, %add3A_282 : i32
      %dma_start3A_284 = arith.constant 0 : i32
      %dma_start3A_285 = tpu.memref_slice %arg6[%add3A_283, %dma_start3A_284] : memref<10128x128xf32, #tpu.memory_space<vmem_shared>> -> memref<48x128xf32, #tpu.memory_space<vmem_shared>>
      %dma_start3A_286 = arith.constant 0 : i32
      %dma_start3A_287 = tpu.memref_slice %arg6[%add3A_283, %dma_start3A_286] : memref<10128x128xf32, #tpu.memory_space<vmem_shared>> -> memref<48x128xf32, #tpu.memory_space<vmem_shared>>
      tpu.enqueue_dma source(%arg25 : memref<48x128xf32, #tpu.memory_space<vmem>>) target(%dma_start3A_287 : memref<48x128xf32, #tpu.memory_space<vmem_shared>>) target_semaphore(%arg45 : memref<!tpu.dma_semaphore, #tpu.memory_space<semaphore_mem>>)
    } else {
    }
    %add3A_160 = arith.constant 0 : i32
    %add3A_161 = arith.addi %mul3A_79, %add3A_160 : i32
    %dma_wait3A = arith.constant 0 : i32
    %dma_wait3A_162 = tpu.memref_slice %arg6[%add3A_161, %dma_wait3A] : memref<10128x128xf32, #tpu.memory_space<vmem_shared>> -> memref<48x128xf32, #tpu.memory_space<vmem_shared>>
    %dma_wait3A_163 = arith.constant 0 : i32
    %dma_wait3A_164 = tpu.memref_slice %arg6[%add3A_161, %dma_wait3A_163] : memref<10128x128xf32, #tpu.memory_space<vmem_shared>> -> memref<48x128xf32, #tpu.memory_space<vmem_shared>>
    tpu.wait_dma2 semaphore(%arg44 : memref<!tpu.dma_semaphore, #tpu.memory_space<semaphore_mem>>) src(%arg25 : memref<48x128xf32, #tpu.memory_space<vmem>>) dst(%dma_wait3A_164 : memref<48x128xf32, #tpu.memory_space<vmem_shared>>)
    %add3A_165 = arith.constant 48 : i32
    %add3A_166 = arith.addi %mul3A_79, %add3A_165 : i32
    %dma_wait3A_167 = arith.constant 0 : i32
    %dma_wait3A_168 = tpu.memref_slice %arg6[%add3A_166, %dma_wait3A_167] : memref<10128x128xf32, #tpu.memory_space<vmem_shared>> -> memref<48x128xf32, #tpu.memory_space<vmem_shared>>
    %dma_wait3A_169 = arith.constant 0 : i32
    %dma_wait3A_170 = tpu.memref_slice %arg6[%add3A_166, %dma_wait3A_169] : memref<10128x128xf32, #tpu.memory_space<vmem_shared>> -> memref<48x128xf32, #tpu.memory_space<vmem_shared>>
    tpu.wait_dma2 semaphore(%arg45 : memref<!tpu.dma_semaphore, #tpu.memory_space<semaphore_mem>>) src(%arg25 : memref<48x128xf32, #tpu.memory_space<vmem>>) dst(%dma_wait3A_170 : memref<48x128xf32, #tpu.memory_space<vmem_shared>>)
    %add3A_171 = arith.constant 96 : i32
    %add3A_172 = arith.addi %mul3A_79, %add3A_171 : i32
    %dma_wait3A_173 = arith.constant 0 : i32
    %dma_wait3A_174 = tpu.memref_slice %arg6[%add3A_172, %dma_wait3A_173] : memref<10128x128xf32, #tpu.memory_space<vmem_shared>> -> memref<48x128xf32, #tpu.memory_space<vmem_shared>>
    %dma_wait3A_175 = arith.constant 0 : i32
    %dma_wait3A_176 = tpu.memref_slice %arg6[%add3A_172, %dma_wait3A_175] : memref<10128x128xf32, #tpu.memory_space<vmem_shared>> -> memref<48x128xf32, #tpu.memory_space<vmem_shared>>
    tpu.wait_dma2 semaphore(%arg44 : memref<!tpu.dma_semaphore, #tpu.memory_space<semaphore_mem>>) src(%arg25 : memref<48x128xf32, #tpu.memory_space<vmem>>) dst(%dma_wait3A_176 : memref<48x128xf32, #tpu.memory_space<vmem_shared>>)
    %add3A_177 = arith.constant 144 : i32
    %add3A_178 = arith.addi %mul3A_79, %add3A_177 : i32
    %dma_wait3A_179 = arith.constant 0 : i32
    %dma_wait3A_180 = tpu.memref_slice %arg6[%add3A_178, %dma_wait3A_179] : memref<10128x128xf32, #tpu.memory_space<vmem_shared>> -> memref<48x128xf32, #tpu.memory_space<vmem_shared>>
    %dma_wait3A_181 = arith.constant 0 : i32
    %dma_wait3A_182 = tpu.memref_slice %arg6[%add3A_178, %dma_wait3A_181] : memref<10128x128xf32, #tpu.memory_space<vmem_shared>> -> memref<48x128xf32, #tpu.memory_space<vmem_shared>>
    tpu.wait_dma2 semaphore(%arg45 : memref<!tpu.dma_semaphore, #tpu.memory_space<semaphore_mem>>) src(%arg25 : memref<48x128xf32, #tpu.memory_space<vmem>>) dst(%dma_wait3A_182 : memref<48x128xf32, #tpu.memory_space<vmem_shared>>)
    %add3A_183 = arith.constant 192 : i32
    %add3A_184 = arith.addi %mul3A_79, %add3A_183 : i32
    %dma_wait3A_185 = arith.constant 0 : i32
    %dma_wait3A_186 = tpu.memref_slice %arg6[%add3A_184, %dma_wait3A_185] : memref<10128x128xf32, #tpu.memory_space<vmem_shared>> -> memref<48x128xf32, #tpu.memory_space<vmem_shared>>
    %dma_wait3A_187 = arith.constant 0 : i32
    %dma_wait3A_188 = tpu.memref_slice %arg6[%add3A_184, %dma_wait3A_187] : memref<10128x128xf32, #tpu.memory_space<vmem_shared>> -> memref<48x128xf32, #tpu.memory_space<vmem_shared>>
    tpu.wait_dma2 semaphore(%arg44 : memref<!tpu.dma_semaphore, #tpu.memory_space<semaphore_mem>>) src(%arg25 : memref<48x128xf32, #tpu.memory_space<vmem>>) dst(%dma_wait3A_188 : memref<48x128xf32, #tpu.memory_space<vmem_shared>>)
    %add3A_189 = arith.constant 240 : i32
    %add3A_190 = arith.addi %mul3A_79, %add3A_189 : i32
    %dma_wait3A_191 = arith.constant 0 : i32
    %dma_wait3A_192 = tpu.memref_slice %arg6[%add3A_190, %dma_wait3A_191] : memref<10128x128xf32, #tpu.memory_space<vmem_shared>> -> memref<48x128xf32, #tpu.memory_space<vmem_shared>>
    %dma_wait3A_193 = arith.constant 0 : i32
    %dma_wait3A_194 = tpu.memref_slice %arg6[%add3A_190, %dma_wait3A_193] : memref<10128x128xf32, #tpu.memory_space<vmem_shared>> -> memref<48x128xf32, #tpu.memory_space<vmem_shared>>
    tpu.wait_dma2 semaphore(%arg45 : memref<!tpu.dma_semaphore, #tpu.memory_space<semaphore_mem>>) src(%arg25 : memref<48x128xf32, #tpu.memory_space<vmem>>) dst(%dma_wait3A_194 : memref<48x128xf32, #tpu.memory_space<vmem_shared>>)
    %add3A_195 = arith.constant 288 : i32
    %add3A_196 = arith.addi %mul3A_79, %add3A_195 : i32
    %dma_wait3A_197 = arith.constant 0 : i32
    %dma_wait3A_198 = tpu.memref_slice %arg6[%add3A_196, %dma_wait3A_197] : memref<10128x128xf32, #tpu.memory_space<vmem_shared>> -> memref<48x128xf32, #tpu.memory_space<vmem_shared>>
    %dma_wait3A_199 = arith.constant 0 : i32
    %dma_wait3A_200 = tpu.memref_slice %arg6[%add3A_196, %dma_wait3A_199] : memref<10128x128xf32, #tpu.memory_space<vmem_shared>> -> memref<48x128xf32, #tpu.memory_space<vmem_shared>>
    tpu.wait_dma2 semaphore(%arg44 : memref<!tpu.dma_semaphore, #tpu.memory_space<semaphore_mem>>) src(%arg25 : memref<48x128xf32, #tpu.memory_space<vmem>>) dst(%dma_wait3A_200 : memref<48x128xf32, #tpu.memory_space<vmem_shared>>)
    %add3A_201 = arith.constant 336 : i32
    %add3A_202 = arith.addi %mul3A_79, %add3A_201 : i32
    %dma_wait3A_203 = arith.constant 0 : i32
    %dma_wait3A_204 = tpu.memref_slice %arg6[%add3A_202, %dma_wait3A_203] : memref<10128x128xf32, #tpu.memory_space<vmem_shared>> -> memref<48x128xf32, #tpu.memory_space<vmem_shared>>
    %dma_wait3A_205 = arith.constant 0 : i32
    %dma_wait3A_206 = tpu.memref_slice %arg6[%add3A_202, %dma_wait3A_205] : memref<10128x128xf32, #tpu.memory_space<vmem_shared>> -> memref<48x128xf32, #tpu.memory_space<vmem_shared>>
    tpu.wait_dma2 semaphore(%arg45 : memref<!tpu.dma_semaphore, #tpu.memory_space<semaphore_mem>>) src(%arg25 : memref<48x128xf32, #tpu.memory_space<vmem>>) dst(%dma_wait3A_206 : memref<48x128xf32, #tpu.memory_space<vmem_shared>>)
    %add3A_207 = arith.constant 384 : i32
    %add3A_208 = arith.addi %mul3A_79, %add3A_207 : i32
    %dma_wait3A_209 = arith.constant 0 : i32
    %dma_wait3A_210 = tpu.memref_slice %arg6[%add3A_208, %dma_wait3A_209] : memref<10128x128xf32, #tpu.memory_space<vmem_shared>> -> memref<48x128xf32, #tpu.memory_space<vmem_shared>>
    %dma_wait3A_211 = arith.constant 0 : i32
    %dma_wait3A_212 = tpu.memref_slice %arg6[%add3A_208, %dma_wait3A_211] : memref<10128x128xf32, #tpu.memory_space<vmem_shared>> -> memref<48x128xf32, #tpu.memory_space<vmem_shared>>
    tpu.wait_dma2 semaphore(%arg44 : memref<!tpu.dma_semaphore, #tpu.memory_space<semaphore_mem>>) src(%arg25 : memref<48x128xf32, #tpu.memory_space<vmem>>) dst(%dma_wait3A_212 : memref<48x128xf32, #tpu.memory_space<vmem_shared>>)
    %add3A_213 = arith.constant 432 : i32
    %add3A_214 = arith.addi %mul3A_79, %add3A_213 : i32
    %dma_wait3A_215 = arith.constant 0 : i32
    %dma_wait3A_216 = tpu.memref_slice %arg6[%add3A_214, %dma_wait3A_215] : memref<10128x128xf32, #tpu.memory_space<vmem_shared>> -> memref<48x128xf32, #tpu.memory_space<vmem_shared>>
    %dma_wait3A_217 = arith.constant 0 : i32
    %dma_wait3A_218 = tpu.memref_slice %arg6[%add3A_214, %dma_wait3A_217] : memref<10128x128xf32, #tpu.memory_space<vmem_shared>> -> memref<48x128xf32, #tpu.memory_space<vmem_shared>>
    tpu.wait_dma2 semaphore(%arg45 : memref<!tpu.dma_semaphore, #tpu.memory_space<semaphore_mem>>) src(%arg25 : memref<48x128xf32, #tpu.memory_space<vmem>>) dst(%dma_wait3A_218 : memref<48x128xf32, #tpu.memory_space<vmem_shared>>)
    %add3A_219 = arith.constant 480 : i32
    %add3A_220 = arith.addi %mul3A_79, %add3A_219 : i32
    %dma_wait3A_221 = arith.constant 0 : i32
    %dma_wait3A_222 = tpu.memref_slice %arg6[%add3A_220, %dma_wait3A_221] : memref<10128x128xf32, #tpu.memory_space<vmem_shared>> -> memref<48x128xf32, #tpu.memory_space<vmem_shared>>
    %dma_wait3A_223 = arith.constant 0 : i32
    %dma_wait3A_224 = tpu.memref_slice %arg6[%add3A_220, %dma_wait3A_223] : memref<10128x128xf32, #tpu.memory_space<vmem_shared>> -> memref<48x128xf32, #tpu.memory_space<vmem_shared>>
    tpu.wait_dma2 semaphore(%arg44 : memref<!tpu.dma_semaphore, #tpu.memory_space<semaphore_mem>>) src(%arg25 : memref<48x128xf32, #tpu.memory_space<vmem>>) dst(%dma_wait3A_224 : memref<48x128xf32, #tpu.memory_space<vmem_shared>>)
    %add3A_225 = arith.constant 528 : i32
    %add3A_226 = arith.addi %mul3A_79, %add3A_225 : i32
    %dma_wait3A_227 = arith.constant 0 : i32
    %dma_wait3A_228 = tpu.memref_slice %arg6[%add3A_226, %dma_wait3A_227] : memref<10128x128xf32, #tpu.memory_space<vmem_shared>> -> memref<48x128xf32, #tpu.memory_space<vmem_shared>>
    %dma_wait3A_229 = arith.constant 0 : i32
    %dma_wait3A_230 = tpu.memref_slice %arg6[%add3A_226, %dma_wait3A_229] : memref<10128x128xf32, #tpu.memory_space<vmem_shared>> -> memref<48x128xf32, #tpu.memory_space<vmem_shared>>
    tpu.wait_dma2 semaphore(%arg45 : memref<!tpu.dma_semaphore, #tpu.memory_space<semaphore_mem>>) src(%arg25 : memref<48x128xf32, #tpu.memory_space<vmem>>) dst(%dma_wait3A_230 : memref<48x128xf32, #tpu.memory_space<vmem_shared>>)
    %add3A_231 = arith.constant 576 : i32
    %add3A_232 = arith.addi %mul3A_79, %add3A_231 : i32
    %dma_wait3A_233 = arith.constant 0 : i32
    %dma_wait3A_234 = tpu.memref_slice %arg6[%add3A_232, %dma_wait3A_233] : memref<10128x128xf32, #tpu.memory_space<vmem_shared>> -> memref<48x128xf32, #tpu.memory_space<vmem_shared>>
    %dma_wait3A_235 = arith.constant 0 : i32
    %dma_wait3A_236 = tpu.memref_slice %arg6[%add3A_232, %dma_wait3A_235] : memref<10128x128xf32, #tpu.memory_space<vmem_shared>> -> memref<48x128xf32, #tpu.memory_space<vmem_shared>>
    tpu.wait_dma2 semaphore(%arg44 : memref<!tpu.dma_semaphore, #tpu.memory_space<semaphore_mem>>) src(%arg25 : memref<48x128xf32, #tpu.memory_space<vmem>>) dst(%dma_wait3A_236 : memref<48x128xf32, #tpu.memory_space<vmem_shared>>)
    %eq3A_237 = arith.constant 15 : i32
    %eq3A_238 = arith.cmpi eq, %arg1, %eq3A_237 : i32
    %convert_element_type3A_239 = arith.extui %eq3A_238 : i1 to i32
    %cond3A_240 = arith.constant 0 : i32
    %cond3A_241 = arith.cmpi ne, %convert_element_type3A_239, %cond3A_240 : i32
    scf.if %cond3A_241 {
      %add3A_264 = arith.constant 624 : i32
      %add3A_265 = arith.addi %mul3A_79, %add3A_264 : i32
      %add3A_266 = arith.constant 0 : i32
      %add3A_267 = arith.addi %add3A_265, %add3A_266 : i32
      %dma_wait3A_268 = arith.constant 0 : i32
      %dma_wait3A_269 = tpu.memref_slice %arg6[%add3A_267, %dma_wait3A_268] : memref<10128x128xf32, #tpu.memory_space<vmem_shared>> -> memref<48x128xf32, #tpu.memory_space<vmem_shared>>
      %dma_wait3A_270 = arith.constant 0 : i32
      %dma_wait3A_271 = tpu.memref_slice %arg6[%add3A_267, %dma_wait3A_270] : memref<10128x128xf32, #tpu.memory_space<vmem_shared>> -> memref<48x128xf32, #tpu.memory_space<vmem_shared>>
      tpu.wait_dma2 semaphore(%arg45 : memref<!tpu.dma_semaphore, #tpu.memory_space<semaphore_mem>>) src(%arg25 : memref<48x128xf32, #tpu.memory_space<vmem>>) dst(%dma_wait3A_271 : memref<48x128xf32, #tpu.memory_space<vmem_shared>>)
      %add3A_272 = arith.constant 624 : i32
      %add3A_273 = arith.addi %mul3A_79, %add3A_272 : i32
      %add3A_274 = arith.constant 48 : i32
      %add3A_275 = arith.addi %add3A_273, %add3A_274 : i32
      %dma_wait3A_276 = arith.constant 0 : i32
      %dma_wait3A_277 = tpu.memref_slice %arg6[%add3A_275, %dma_wait3A_276] : memref<10128x128xf32, #tpu.memory_space<vmem_shared>> -> memref<48x128xf32, #tpu.memory_space<vmem_shared>>
      %dma_wait3A_278 = arith.constant 0 : i32
      %dma_wait3A_279 = tpu.memref_slice %arg6[%add3A_275, %dma_wait3A_278] : memref<10128x128xf32, #tpu.memory_space<vmem_shared>> -> memref<48x128xf32, #tpu.memory_space<vmem_shared>>
      tpu.wait_dma2 semaphore(%arg44 : memref<!tpu.dma_semaphore, #tpu.memory_space<semaphore_mem>>) src(%arg25 : memref<48x128xf32, #tpu.memory_space<vmem>>) dst(%dma_wait3A_279 : memref<48x128xf32, #tpu.memory_space<vmem_shared>>)
      %add3A_280 = arith.constant 624 : i32
      %add3A_281 = arith.addi %mul3A_79, %add3A_280 : i32
      %add3A_282 = arith.constant 96 : i32
      %add3A_283 = arith.addi %add3A_281, %add3A_282 : i32
      %dma_wait3A_284 = arith.constant 0 : i32
      %dma_wait3A_285 = tpu.memref_slice %arg6[%add3A_283, %dma_wait3A_284] : memref<10128x128xf32, #tpu.memory_space<vmem_shared>> -> memref<48x128xf32, #tpu.memory_space<vmem_shared>>
      %dma_wait3A_286 = arith.constant 0 : i32
      %dma_wait3A_287 = tpu.memref_slice %arg6[%add3A_283, %dma_wait3A_286] : memref<10128x128xf32, #tpu.memory_space<vmem_shared>> -> memref<48x128xf32, #tpu.memory_space<vmem_shared>>
      tpu.wait_dma2 semaphore(%arg45 : memref<!tpu.dma_semaphore, #tpu.memory_space<semaphore_mem>>) src(%arg25 : memref<48x128xf32, #tpu.memory_space<vmem>>) dst(%dma_wait3A_287 : memref<48x128xf32, #tpu.memory_space<vmem_shared>>)
    } else {
    }
    %barrier3A = arith.constant 0 : index
    tpu.barrier barrier_id(%barrier3A)
    %scan3A_242 = arith.constant 0 : i32
    %scan3A_243 = arith.constant 0 : i32
    %scan3A_244 = arith.constant 10 : i32
    %scan3A_245 = arith.addi %scan3A_243, %scan3A_244 : i32
    %scan3A_246 = arith.constant 1 : i32
    scf.for %scan3A_264 = %scan3A_243 to %scan3A_245 step %scan3A_246  : i32 {
      %mul3A_265 = arith.constant 8 : i32
      %mul3A_266 = arith.muli %scan3A_264, %mul3A_265 : i32
      %add3A_267 = arith.constant 0 : i32
      %add3A_268 = arith.addi %mul3A_266, %add3A_267 : i32
      %ge3A = arith.constant 2 : i32
      %ge3A_269 = arith.cmpi sge, %add3A_268, %ge3A : i32
      %convert_element_type3A_270 = arith.extui %ge3A_269 : i1 to i32
      %cond3A_271 = arith.constant 0 : i32
      %cond3A_272 = arith.cmpi ne, %convert_element_type3A_270, %cond3A_271 : i32
      scf.if %cond3A_272 {
        %dma_wait3A_591 = arith.constant 0 : i32
        %dma_wait3A_592 = arith.constant 0 : i32
        %dma_wait3A_593 = tpu.memref_slice %arg6[%dma_wait3A_591, %dma_wait3A_592] : memref<10128x128xf32, #tpu.memory_space<vmem_shared>> -> memref<10128x128xf32, #tpu.memory_space<vmem_shared>>
        tpu.wait_indirect_dma semaphore(%arg44 : memref<!tpu.dma_semaphore, #tpu.memory_space<semaphore_mem>>) src(%arg23 : memref<128x128xf32, #tpu.memory_space<vmem>>) dst(%dma_wait3A_593 : memref<10128x128xf32, #tpu.memory_space<vmem_shared>>)
      } else {
      }
      %add3A_273 = arith.constant 8 : i32
      %add3A_274 = arith.addi %add3A_268, %add3A_273 : i32
      %sub3A = arith.constant 2 : i32
      %sub3A_275 = arith.subi %add3A_274, %sub3A : i32
      %lt3A_276 = arith.constant 80 : i32
      %lt3A_277 = arith.cmpi slt, %sub3A_275, %lt3A_276 : i32
      %convert_element_type3A_278 = arith.extui %lt3A_277 : i1 to i32
      %cond3A_279 = arith.constant 0 : i32
      %cond3A_280 = arith.cmpi ne, %convert_element_type3A_278, %cond3A_279 : i32
      scf.if %cond3A_280 {
        %add3A_591 = arith.constant 8 : i32
        %add3A_592 = arith.addi %add3A_268, %add3A_591 : i32
        %sub3A_593 = arith.constant 2 : i32
        %sub3A_594 = arith.subi %add3A_592, %sub3A_593 : i32
        %mul3A_595 = arith.constant 32 : i32
        %mul3A_596 = arith.muli %sub3A_594, %mul3A_595 : i32
        %add3A_597 = arith.addi %add3A, %mul3A_596 : i32
        %mul3A_598 = arith.constant 128 : i32
        %mul3A_599 = arith.muli %add3A_597, %mul3A_598 : i32
        %dma_start3A_600 = tpu.memref_slice %arg3[%mul3A_599] : memref<327680xi32, #tpu.memory_space<hbm>> -> memref<128xi32, #tpu.memory_space<hbm>>
        %dma_start3A_601 = tpu.memref_slice %arg3[%mul3A_599] : memref<327680xi32, #tpu.memory_space<hbm>> -> memref<128xi32, #tpu.memory_space<hbm>>
        tpu.enqueue_dma source(%dma_start3A_601 : memref<128xi32, #tpu.memory_space<hbm>>) target(%arg13 : memref<128xi32, #tpu.memory_space<vmem>>) target_semaphore(%arg32 : memref<!tpu.dma_semaphore, #tpu.memory_space<semaphore_mem>>)
        %add3A_602 = arith.constant 8 : i32
        %add3A_603 = arith.addi %add3A_268, %add3A_602 : i32
        %sub3A_604 = arith.constant 2 : i32
        %sub3A_605 = arith.subi %add3A_603, %sub3A_604 : i32
        %mul3A_606 = arith.constant 32 : i32
        %mul3A_607 = arith.muli %sub3A_605, %mul3A_606 : i32
        %add3A_608 = arith.addi %add3A, %mul3A_607 : i32
        %mul3A_609 = arith.constant 128 : i32
        %mul3A_610 = arith.muli %add3A_608, %mul3A_609 : i32
        %dma_start3A_611 = tpu.memref_slice %arg4[%mul3A_610] : memref<327680xi32, #tpu.memory_space<hbm>> -> memref<128xi32, #tpu.memory_space<hbm>>
        %dma_start3A_612 = tpu.memref_slice %arg4[%mul3A_610] : memref<327680xi32, #tpu.memory_space<hbm>> -> memref<128xi32, #tpu.memory_space<hbm>>
        tpu.enqueue_dma source(%dma_start3A_612 : memref<128xi32, #tpu.memory_space<hbm>>) target(%arg21 : memref<128xi32, #tpu.memory_space<vmem>>) target_semaphore(%arg40 : memref<!tpu.dma_semaphore, #tpu.memory_space<semaphore_mem>>)
      } else {
      }
      %mul3A_281 = arith.constant 32 : i32
      %mul3A_282 = arith.muli %add3A_268, %mul3A_281 : i32
      %add3A_283 = arith.addi %add3A, %mul3A_282 : i32
      %mul3A_284 = arith.constant 128 : i32
      %mul3A_285 = arith.muli %add3A_283, %mul3A_284 : i32
      %dma_wait3A_286 = tpu.memref_slice %arg3[%mul3A_285] : memref<327680xi32, #tpu.memory_space<hbm>> -> memref<128xi32, #tpu.memory_space<hbm>>
      %dma_wait3A_287 = tpu.memref_slice %arg3[%mul3A_285] : memref<327680xi32, #tpu.memory_space<hbm>> -> memref<128xi32, #tpu.memory_space<hbm>>
      tpu.wait_dma2 semaphore(%arg26 : memref<!tpu.dma_semaphore, #tpu.memory_space<semaphore_mem>>) src(%dma_wait3A_287 : memref<128xi32, #tpu.memory_space<hbm>>) dst(%arg7 : memref<128xi32, #tpu.memory_space<vmem>>)
      %dma_start3A_288 = arith.constant 0 : i32
      %dma_start3A_289 = arith.constant 0 : i32
      %dma_start3A_290 = tpu.memref_slice %arg2[%dma_start3A_288, %dma_start3A_289] : memref<10000x128xf32, #tpu.memory_space<hbm>> -> memref<10000x128xf32, #tpu.memory_space<hbm>>
      tpu.enqueue_indirect_dma source(%dma_start3A_290 : memref<10000x128xf32, #tpu.memory_space<hbm>>) target(%arg23 : memref<128x128xf32, #tpu.memory_space<vmem>>) offsets(%arg7 : memref<128xi32, #tpu.memory_space<vmem>>) semaphore(%arg42 : memref<!tpu.dma_semaphore, #tpu.memory_space<semaphore_mem>>)
      %dma_wait3A_291 = arith.constant 0 : i32
      %dma_wait3A_292 = arith.constant 0 : i32
      %dma_wait3A_293 = tpu.memref_slice %arg2[%dma_wait3A_291, %dma_wait3A_292] : memref<10000x128xf32, #tpu.memory_space<hbm>> -> memref<10000x128xf32, #tpu.memory_space<hbm>>
      tpu.wait_indirect_dma semaphore(%arg42 : memref<!tpu.dma_semaphore, #tpu.memory_space<semaphore_mem>>) src(%dma_wait3A_293 : memref<10000x128xf32, #tpu.memory_space<hbm>>) dst(%arg23 : memref<128x128xf32, #tpu.memory_space<vmem>>)
      %mul3A_294 = arith.constant 32 : i32
      %mul3A_295 = arith.muli %add3A_268, %mul3A_294 : i32
      %add3A_296 = arith.addi %add3A, %mul3A_295 : i32
      %mul3A_297 = arith.constant 128 : i32
      %mul3A_298 = arith.muli %add3A_296, %mul3A_297 : i32
      %dma_wait3A_299 = tpu.memref_slice %arg4[%mul3A_298] : memref<327680xi32, #tpu.memory_space<hbm>> -> memref<128xi32, #tpu.memory_space<hbm>>
      %dma_wait3A_300 = tpu.memref_slice %arg4[%mul3A_298] : memref<327680xi32, #tpu.memory_space<hbm>> -> memref<128xi32, #tpu.memory_space<hbm>>
      tpu.wait_dma2 semaphore(%arg34 : memref<!tpu.dma_semaphore, #tpu.memory_space<semaphore_mem>>) src(%dma_wait3A_300 : memref<128xi32, #tpu.memory_space<hbm>>) dst(%arg15 : memref<128xi32, #tpu.memory_space<vmem>>)
      %dma_start3A_301 = arith.constant 0 : i32
      %dma_start3A_302 = arith.constant 0 : i32
      %dma_start3A_303 = tpu.memref_slice %arg6[%dma_start3A_301, %dma_start3A_302] : memref<10128x128xf32, #tpu.memory_space<vmem_shared>> -> memref<10128x128xf32, #tpu.memory_space<vmem_shared>>
      tpu.enqueue_indirect_dma source(%arg23 : memref<128x128xf32, #tpu.memory_space<vmem>>) target(%dma_start3A_303 : memref<10128x128xf32, #tpu.memory_space<vmem_shared>>) offsets(%arg15 : memref<128xi32, #tpu.memory_space<vmem>>) semaphore(%arg44 : memref<!tpu.dma_semaphore, #tpu.memory_space<semaphore_mem>>) {add = true}
      %mul3A_304 = arith.constant 8 : i32
      %mul3A_305 = arith.muli %scan3A_264, %mul3A_304 : i32
      %add3A_306 = arith.constant 1 : i32
      %add3A_307 = arith.addi %mul3A_305, %add3A_306 : i32
      %ge3A_308 = arith.constant 2 : i32
      %ge3A_309 = arith.cmpi sge, %add3A_307, %ge3A_308 : i32
      %convert_element_type3A_310 = arith.extui %ge3A_309 : i1 to i32
      %cond3A_311 = arith.constant 0 : i32
      %cond3A_312 = arith.cmpi ne, %convert_element_type3A_310, %cond3A_311 : i32
      scf.if %cond3A_312 {
        %dma_wait3A_591 = arith.constant 0 : i32
        %dma_wait3A_592 = arith.constant 0 : i32
        %dma_wait3A_593 = tpu.memref_slice %arg6[%dma_wait3A_591, %dma_wait3A_592] : memref<10128x128xf32, #tpu.memory_space<vmem_shared>> -> memref<10128x128xf32, #tpu.memory_space<vmem_shared>>
        tpu.wait_indirect_dma semaphore(%arg45 : memref<!tpu.dma_semaphore, #tpu.memory_space<semaphore_mem>>) src(%arg24 : memref<128x128xf32, #tpu.memory_space<vmem>>) dst(%dma_wait3A_593 : memref<10128x128xf32, #tpu.memory_space<vmem_shared>>)
      } else {
      }
      %add3A_313 = arith.constant 8 : i32
      %add3A_314 = arith.addi %add3A_307, %add3A_313 : i32
      %sub3A_315 = arith.constant 2 : i32
      %sub3A_316 = arith.subi %add3A_314, %sub3A_315 : i32
      %lt3A_317 = arith.constant 80 : i32
      %lt3A_318 = arith.cmpi slt, %sub3A_316, %lt3A_317 : i32
      %convert_element_type3A_319 = arith.extui %lt3A_318 : i1 to i32
      %cond3A_320 = arith.constant 0 : i32
      %cond3A_321 = arith.cmpi ne, %convert_element_type3A_319, %cond3A_320 : i32
      scf.if %cond3A_321 {
        %add3A_591 = arith.constant 8 : i32
        %add3A_592 = arith.addi %add3A_307, %add3A_591 : i32
        %sub3A_593 = arith.constant 2 : i32
        %sub3A_594 = arith.subi %add3A_592, %sub3A_593 : i32
        %mul3A_595 = arith.constant 32 : i32
        %mul3A_596 = arith.muli %sub3A_594, %mul3A_595 : i32
        %add3A_597 = arith.addi %add3A, %mul3A_596 : i32
        %mul3A_598 = arith.constant 128 : i32
        %mul3A_599 = arith.muli %add3A_597, %mul3A_598 : i32
        %dma_start3A_600 = tpu.memref_slice %arg3[%mul3A_599] : memref<327680xi32, #tpu.memory_space<hbm>> -> memref<128xi32, #tpu.memory_space<hbm>>
        %dma_start3A_601 = tpu.memref_slice %arg3[%mul3A_599] : memref<327680xi32, #tpu.memory_space<hbm>> -> memref<128xi32, #tpu.memory_space<hbm>>
        tpu.enqueue_dma source(%dma_start3A_601 : memref<128xi32, #tpu.memory_space<hbm>>) target(%arg14 : memref<128xi32, #tpu.memory_space<vmem>>) target_semaphore(%arg33 : memref<!tpu.dma_semaphore, #tpu.memory_space<semaphore_mem>>)
        %add3A_602 = arith.constant 8 : i32
        %add3A_603 = arith.addi %add3A_307, %add3A_602 : i32
        %sub3A_604 = arith.constant 2 : i32
        %sub3A_605 = arith.subi %add3A_603, %sub3A_604 : i32
        %mul3A_606 = arith.constant 32 : i32
        %mul3A_607 = arith.muli %sub3A_605, %mul3A_606 : i32
        %add3A_608 = arith.addi %add3A, %mul3A_607 : i32
        %mul3A_609 = arith.constant 128 : i32
        %mul3A_610 = arith.muli %add3A_608, %mul3A_609 : i32
        %dma_start3A_611 = tpu.memref_slice %arg4[%mul3A_610] : memref<327680xi32, #tpu.memory_space<hbm>> -> memref<128xi32, #tpu.memory_space<hbm>>
        %dma_start3A_612 = tpu.memref_slice %arg4[%mul3A_610] : memref<327680xi32, #tpu.memory_space<hbm>> -> memref<128xi32, #tpu.memory_space<hbm>>
        tpu.enqueue_dma source(%dma_start3A_612 : memref<128xi32, #tpu.memory_space<hbm>>) target(%arg22 : memref<128xi32, #tpu.memory_space<vmem>>) target_semaphore(%arg41 : memref<!tpu.dma_semaphore, #tpu.memory_space<semaphore_mem>>)
      } else {
      }
      %mul3A_322 = arith.constant 32 : i32
      %mul3A_323 = arith.muli %add3A_307, %mul3A_322 : i32
      %add3A_324 = arith.addi %add3A, %mul3A_323 : i32
      %mul3A_325 = arith.constant 128 : i32
      %mul3A_326 = arith.muli %add3A_324, %mul3A_325 : i32
      %dma_wait3A_327 = tpu.memref_slice %arg3[%mul3A_326] : memref<327680xi32, #tpu.memory_space<hbm>> -> memref<128xi32, #tpu.memory_space<hbm>>
      %dma_wait3A_328 = tpu.memref_slice %arg3[%mul3A_326] : memref<327680xi32, #tpu.memory_space<hbm>> -> memref<128xi32, #tpu.memory_space<hbm>>
      tpu.wait_dma2 semaphore(%arg27 : memref<!tpu.dma_semaphore, #tpu.memory_space<semaphore_mem>>) src(%dma_wait3A_328 : memref<128xi32, #tpu.memory_space<hbm>>) dst(%arg8 : memref<128xi32, #tpu.memory_space<vmem>>)
      %dma_start3A_329 = arith.constant 0 : i32
      %dma_start3A_330 = arith.constant 0 : i32
      %dma_start3A_331 = tpu.memref_slice %arg2[%dma_start3A_329, %dma_start3A_330] : memref<10000x128xf32, #tpu.memory_space<hbm>> -> memref<10000x128xf32, #tpu.memory_space<hbm>>
      tpu.enqueue_indirect_dma source(%dma_start3A_331 : memref<10000x128xf32, #tpu.memory_space<hbm>>) target(%arg24 : memref<128x128xf32, #tpu.memory_space<vmem>>) offsets(%arg8 : memref<128xi32, #tpu.memory_space<vmem>>) semaphore(%arg43 : memref<!tpu.dma_semaphore, #tpu.memory_space<semaphore_mem>>)
      %dma_wait3A_332 = arith.constant 0 : i32
      %dma_wait3A_333 = arith.constant 0 : i32
      %dma_wait3A_334 = tpu.memref_slice %arg2[%dma_wait3A_332, %dma_wait3A_333] : memref<10000x128xf32, #tpu.memory_space<hbm>> -> memref<10000x128xf32, #tpu.memory_space<hbm>>
      tpu.wait_indirect_dma semaphore(%arg43 : memref<!tpu.dma_semaphore, #tpu.memory_space<semaphore_mem>>) src(%dma_wait3A_334 : memref<10000x128xf32, #tpu.memory_space<hbm>>) dst(%arg24 : memref<128x128xf32, #tpu.memory_space<vmem>>)
      %mul3A_335 = arith.constant 32 : i32
      %mul3A_336 = arith.muli %add3A_307, %mul3A_335 : i32
      %add3A_337 = arith.addi %add3A, %mul3A_336 : i32
      %mul3A_338 = arith.constant 128 : i32
      %mul3A_339 = arith.muli %add3A_337, %mul3A_338 : i32
      %dma_wait3A_340 = tpu.memref_slice %arg4[%mul3A_339] : memref<327680xi32, #tpu.memory_space<hbm>> -> memref<128xi32, #tpu.memory_space<hbm>>
      %dma_wait3A_341 = tpu.memref_slice %arg4[%mul3A_339] : memref<327680xi32, #tpu.memory_space<hbm>> -> memref<128xi32, #tpu.memory_space<hbm>>
      tpu.wait_dma2 semaphore(%arg35 : memref<!tpu.dma_semaphore, #tpu.memory_space<semaphore_mem>>) src(%dma_wait3A_341 : memref<128xi32, #tpu.memory_space<hbm>>) dst(%arg16 : memref<128xi32, #tpu.memory_space<vmem>>)
      %dma_start3A_342 = arith.constant 0 : i32
      %dma_start3A_343 = arith.constant 0 : i32
      %dma_start3A_344 = tpu.memref_slice %arg6[%dma_start3A_342, %dma_start3A_343] : memref<10128x128xf32, #tpu.memory_space<vmem_shared>> -> memref<10128x128xf32, #tpu.memory_space<vmem_shared>>
      tpu.enqueue_indirect_dma source(%arg24 : memref<128x128xf32, #tpu.memory_space<vmem>>) target(%dma_start3A_344 : memref<10128x128xf32, #tpu.memory_space<vmem_shared>>) offsets(%arg16 : memref<128xi32, #tpu.memory_space<vmem>>) semaphore(%arg45 : memref<!tpu.dma_semaphore, #tpu.memory_space<semaphore_mem>>) {add = true}
      %mul3A_345 = arith.constant 8 : i32
      %mul3A_346 = arith.muli %scan3A_264, %mul3A_345 : i32
      %add3A_347 = arith.constant 2 : i32
      %add3A_348 = arith.addi %mul3A_346, %add3A_347 : i32
      %ge3A_349 = arith.constant 2 : i32
      %ge3A_350 = arith.cmpi sge, %add3A_348, %ge3A_349 : i32
      %convert_element_type3A_351 = arith.extui %ge3A_350 : i1 to i32
      %cond3A_352 = arith.constant 0 : i32
      %cond3A_353 = arith.cmpi ne, %convert_element_type3A_351, %cond3A_352 : i32
      scf.if %cond3A_353 {
        %dma_wait3A_591 = arith.constant 0 : i32
        %dma_wait3A_592 = arith.constant 0 : i32
        %dma_wait3A_593 = tpu.memref_slice %arg6[%dma_wait3A_591, %dma_wait3A_592] : memref<10128x128xf32, #tpu.memory_space<vmem_shared>> -> memref<10128x128xf32, #tpu.memory_space<vmem_shared>>
        tpu.wait_indirect_dma semaphore(%arg44 : memref<!tpu.dma_semaphore, #tpu.memory_space<semaphore_mem>>) src(%arg23 : memref<128x128xf32, #tpu.memory_space<vmem>>) dst(%dma_wait3A_593 : memref<10128x128xf32, #tpu.memory_space<vmem_shared>>)
      } else {
      }
      %add3A_354 = arith.constant 8 : i32
      %add3A_355 = arith.addi %add3A_348, %add3A_354 : i32
      %sub3A_356 = arith.constant 2 : i32
      %sub3A_357 = arith.subi %add3A_355, %sub3A_356 : i32
      %lt3A_358 = arith.constant 80 : i32
      %lt3A_359 = arith.cmpi slt, %sub3A_357, %lt3A_358 : i32
      %convert_element_type3A_360 = arith.extui %lt3A_359 : i1 to i32
      %cond3A_361 = arith.constant 0 : i32
      %cond3A_362 = arith.cmpi ne, %convert_element_type3A_360, %cond3A_361 : i32
      scf.if %cond3A_362 {
        %add3A_591 = arith.constant 8 : i32
        %add3A_592 = arith.addi %add3A_348, %add3A_591 : i32
        %sub3A_593 = arith.constant 2 : i32
        %sub3A_594 = arith.subi %add3A_592, %sub3A_593 : i32
        %mul3A_595 = arith.constant 32 : i32
        %mul3A_596 = arith.muli %sub3A_594, %mul3A_595 : i32
        %add3A_597 = arith.addi %add3A, %mul3A_596 : i32
        %mul3A_598 = arith.constant 128 : i32
        %mul3A_599 = arith.muli %add3A_597, %mul3A_598 : i32
        %dma_start3A_600 = tpu.memref_slice %arg3[%mul3A_599] : memref<327680xi32, #tpu.memory_space<hbm>> -> memref<128xi32, #tpu.memory_space<hbm>>
        %dma_start3A_601 = tpu.memref_slice %arg3[%mul3A_599] : memref<327680xi32, #tpu.memory_space<hbm>> -> memref<128xi32, #tpu.memory_space<hbm>>
        tpu.enqueue_dma source(%dma_start3A_601 : memref<128xi32, #tpu.memory_space<hbm>>) target(%arg7 : memref<128xi32, #tpu.memory_space<vmem>>) target_semaphore(%arg26 : memref<!tpu.dma_semaphore, #tpu.memory_space<semaphore_mem>>)
        %add3A_602 = arith.constant 8 : i32
        %add3A_603 = arith.addi %add3A_348, %add3A_602 : i32
        %sub3A_604 = arith.constant 2 : i32
        %sub3A_605 = arith.subi %add3A_603, %sub3A_604 : i32
        %mul3A_606 = arith.constant 32 : i32
        %mul3A_607 = arith.muli %sub3A_605, %mul3A_606 : i32
        %add3A_608 = arith.addi %add3A, %mul3A_607 : i32
        %mul3A_609 = arith.constant 128 : i32
        %mul3A_610 = arith.muli %add3A_608, %mul3A_609 : i32
        %dma_start3A_611 = tpu.memref_slice %arg4[%mul3A_610] : memref<327680xi32, #tpu.memory_space<hbm>> -> memref<128xi32, #tpu.memory_space<hbm>>
        %dma_start3A_612 = tpu.memref_slice %arg4[%mul3A_610] : memref<327680xi32, #tpu.memory_space<hbm>> -> memref<128xi32, #tpu.memory_space<hbm>>
        tpu.enqueue_dma source(%dma_start3A_612 : memref<128xi32, #tpu.memory_space<hbm>>) target(%arg15 : memref<128xi32, #tpu.memory_space<vmem>>) target_semaphore(%arg34 : memref<!tpu.dma_semaphore, #tpu.memory_space<semaphore_mem>>)
      } else {
      }
      %mul3A_363 = arith.constant 32 : i32
      %mul3A_364 = arith.muli %add3A_348, %mul3A_363 : i32
      %add3A_365 = arith.addi %add3A, %mul3A_364 : i32
      %mul3A_366 = arith.constant 128 : i32
      %mul3A_367 = arith.muli %add3A_365, %mul3A_366 : i32
      %dma_wait3A_368 = tpu.memref_slice %arg3[%mul3A_367] : memref<327680xi32, #tpu.memory_space<hbm>> -> memref<128xi32, #tpu.memory_space<hbm>>
      %dma_wait3A_369 = tpu.memref_slice %arg3[%mul3A_367] : memref<327680xi32, #tpu.memory_space<hbm>> -> memref<128xi32, #tpu.memory_space<hbm>>
      tpu.wait_dma2 semaphore(%arg28 : memref<!tpu.dma_semaphore, #tpu.memory_space<semaphore_mem>>) src(%dma_wait3A_369 : memref<128xi32, #tpu.memory_space<hbm>>) dst(%arg9 : memref<128xi32, #tpu.memory_space<vmem>>)
      %dma_start3A_370 = arith.constant 0 : i32
      %dma_start3A_371 = arith.constant 0 : i32
      %dma_start3A_372 = tpu.memref_slice %arg2[%dma_start3A_370, %dma_start3A_371] : memref<10000x128xf32, #tpu.memory_space<hbm>> -> memref<10000x128xf32, #tpu.memory_space<hbm>>
      tpu.enqueue_indirect_dma source(%dma_start3A_372 : memref<10000x128xf32, #tpu.memory_space<hbm>>) target(%arg23 : memref<128x128xf32, #tpu.memory_space<vmem>>) offsets(%arg9 : memref<128xi32, #tpu.memory_space<vmem>>) semaphore(%arg42 : memref<!tpu.dma_semaphore, #tpu.memory_space<semaphore_mem>>)
      %dma_wait3A_373 = arith.constant 0 : i32
      %dma_wait3A_374 = arith.constant 0 : i32
      %dma_wait3A_375 = tpu.memref_slice %arg2[%dma_wait3A_373, %dma_wait3A_374] : memref<10000x128xf32, #tpu.memory_space<hbm>> -> memref<10000x128xf32, #tpu.memory_space<hbm>>
      tpu.wait_indirect_dma semaphore(%arg42 : memref<!tpu.dma_semaphore, #tpu.memory_space<semaphore_mem>>) src(%dma_wait3A_375 : memref<10000x128xf32, #tpu.memory_space<hbm>>) dst(%arg23 : memref<128x128xf32, #tpu.memory_space<vmem>>)
      %mul3A_376 = arith.constant 32 : i32
      %mul3A_377 = arith.muli %add3A_348, %mul3A_376 : i32
      %add3A_378 = arith.addi %add3A, %mul3A_377 : i32
      %mul3A_379 = arith.constant 128 : i32
      %mul3A_380 = arith.muli %add3A_378, %mul3A_379 : i32
      %dma_wait3A_381 = tpu.memref_slice %arg4[%mul3A_380] : memref<327680xi32, #tpu.memory_space<hbm>> -> memref<128xi32, #tpu.memory_space<hbm>>
      %dma_wait3A_382 = tpu.memref_slice %arg4[%mul3A_380] : memref<327680xi32, #tpu.memory_space<hbm>> -> memref<128xi32, #tpu.memory_space<hbm>>
      tpu.wait_dma2 semaphore(%arg36 : memref<!tpu.dma_semaphore, #tpu.memory_space<semaphore_mem>>) src(%dma_wait3A_382 : memref<128xi32, #tpu.memory_space<hbm>>) dst(%arg17 : memref<128xi32, #tpu.memory_space<vmem>>)
      %dma_start3A_383 = arith.constant 0 : i32
      %dma_start3A_384 = arith.constant 0 : i32
      %dma_start3A_385 = tpu.memref_slice %arg6[%dma_start3A_383, %dma_start3A_384] : memref<10128x128xf32, #tpu.memory_space<vmem_shared>> -> memref<10128x128xf32, #tpu.memory_space<vmem_shared>>
      tpu.enqueue_indirect_dma source(%arg23 : memref<128x128xf32, #tpu.memory_space<vmem>>) target(%dma_start3A_385 : memref<10128x128xf32, #tpu.memory_space<vmem_shared>>) offsets(%arg17 : memref<128xi32, #tpu.memory_space<vmem>>) semaphore(%arg44 : memref<!tpu.dma_semaphore, #tpu.memory_space<semaphore_mem>>) {add = true}
      %mul3A_386 = arith.constant 8 : i32
      %mul3A_387 = arith.muli %scan3A_264, %mul3A_386 : i32
      %add3A_388 = arith.constant 3 : i32
      %add3A_389 = arith.addi %mul3A_387, %add3A_388 : i32
      %ge3A_390 = arith.constant 2 : i32
      %ge3A_391 = arith.cmpi sge, %add3A_389, %ge3A_390 : i32
      %convert_element_type3A_392 = arith.extui %ge3A_391 : i1 to i32
      %cond3A_393 = arith.constant 0 : i32
      %cond3A_394 = arith.cmpi ne, %convert_element_type3A_392, %cond3A_393 : i32
      scf.if %cond3A_394 {
        %dma_wait3A_591 = arith.constant 0 : i32
        %dma_wait3A_592 = arith.constant 0 : i32
        %dma_wait3A_593 = tpu.memref_slice %arg6[%dma_wait3A_591, %dma_wait3A_592] : memref<10128x128xf32, #tpu.memory_space<vmem_shared>> -> memref<10128x128xf32, #tpu.memory_space<vmem_shared>>
        tpu.wait_indirect_dma semaphore(%arg45 : memref<!tpu.dma_semaphore, #tpu.memory_space<semaphore_mem>>) src(%arg24 : memref<128x128xf32, #tpu.memory_space<vmem>>) dst(%dma_wait3A_593 : memref<10128x128xf32, #tpu.memory_space<vmem_shared>>)
      } else {
      }
      %add3A_395 = arith.constant 8 : i32
      %add3A_396 = arith.addi %add3A_389, %add3A_395 : i32
      %sub3A_397 = arith.constant 2 : i32
      %sub3A_398 = arith.subi %add3A_396, %sub3A_397 : i32
      %lt3A_399 = arith.constant 80 : i32
      %lt3A_400 = arith.cmpi slt, %sub3A_398, %lt3A_399 : i32
      %convert_element_type3A_401 = arith.extui %lt3A_400 : i1 to i32
      %cond3A_402 = arith.constant 0 : i32
      %cond3A_403 = arith.cmpi ne, %convert_element_type3A_401, %cond3A_402 : i32
      scf.if %cond3A_403 {
        %add3A_591 = arith.constant 8 : i32
        %add3A_592 = arith.addi %add3A_389, %add3A_591 : i32
        %sub3A_593 = arith.constant 2 : i32
        %sub3A_594 = arith.subi %add3A_592, %sub3A_593 : i32
        %mul3A_595 = arith.constant 32 : i32
        %mul3A_596 = arith.muli %sub3A_594, %mul3A_595 : i32
        %add3A_597 = arith.addi %add3A, %mul3A_596 : i32
        %mul3A_598 = arith.constant 128 : i32
        %mul3A_599 = arith.muli %add3A_597, %mul3A_598 : i32
        %dma_start3A_600 = tpu.memref_slice %arg3[%mul3A_599] : memref<327680xi32, #tpu.memory_space<hbm>> -> memref<128xi32, #tpu.memory_space<hbm>>
        %dma_start3A_601 = tpu.memref_slice %arg3[%mul3A_599] : memref<327680xi32, #tpu.memory_space<hbm>> -> memref<128xi32, #tpu.memory_space<hbm>>
        tpu.enqueue_dma source(%dma_start3A_601 : memref<128xi32, #tpu.memory_space<hbm>>) target(%arg8 : memref<128xi32, #tpu.memory_space<vmem>>) target_semaphore(%arg27 : memref<!tpu.dma_semaphore, #tpu.memory_space<semaphore_mem>>)
        %add3A_602 = arith.constant 8 : i32
        %add3A_603 = arith.addi %add3A_389, %add3A_602 : i32
        %sub3A_604 = arith.constant 2 : i32
        %sub3A_605 = arith.subi %add3A_603, %sub3A_604 : i32
        %mul3A_606 = arith.constant 32 : i32
        %mul3A_607 = arith.muli %sub3A_605, %mul3A_606 : i32
        %add3A_608 = arith.addi %add3A, %mul3A_607 : i32
        %mul3A_609 = arith.constant 128 : i32
        %mul3A_610 = arith.muli %add3A_608, %mul3A_609 : i32
        %dma_start3A_611 = tpu.memref_slice %arg4[%mul3A_610] : memref<327680xi32, #tpu.memory_space<hbm>> -> memref<128xi32, #tpu.memory_space<hbm>>
        %dma_start3A_612 = tpu.memref_slice %arg4[%mul3A_610] : memref<327680xi32, #tpu.memory_space<hbm>> -> memref<128xi32, #tpu.memory_space<hbm>>
        tpu.enqueue_dma source(%dma_start3A_612 : memref<128xi32, #tpu.memory_space<hbm>>) target(%arg16 : memref<128xi32, #tpu.memory_space<vmem>>) target_semaphore(%arg35 : memref<!tpu.dma_semaphore, #tpu.memory_space<semaphore_mem>>)
      } else {
      }
      %mul3A_404 = arith.constant 32 : i32
      %mul3A_405 = arith.muli %add3A_389, %mul3A_404 : i32
      %add3A_406 = arith.addi %add3A, %mul3A_405 : i32
      %mul3A_407 = arith.constant 128 : i32
      %mul3A_408 = arith.muli %add3A_406, %mul3A_407 : i32
      %dma_wait3A_409 = tpu.memref_slice %arg3[%mul3A_408] : memref<327680xi32, #tpu.memory_space<hbm>> -> memref<128xi32, #tpu.memory_space<hbm>>
      %dma_wait3A_410 = tpu.memref_slice %arg3[%mul3A_408] : memref<327680xi32, #tpu.memory_space<hbm>> -> memref<128xi32, #tpu.memory_space<hbm>>
      tpu.wait_dma2 semaphore(%arg29 : memref<!tpu.dma_semaphore, #tpu.memory_space<semaphore_mem>>) src(%dma_wait3A_410 : memref<128xi32, #tpu.memory_space<hbm>>) dst(%arg10 : memref<128xi32, #tpu.memory_space<vmem>>)
      %dma_start3A_411 = arith.constant 0 : i32
      %dma_start3A_412 = arith.constant 0 : i32
      %dma_start3A_413 = tpu.memref_slice %arg2[%dma_start3A_411, %dma_start3A_412] : memref<10000x128xf32, #tpu.memory_space<hbm>> -> memref<10000x128xf32, #tpu.memory_space<hbm>>
      tpu.enqueue_indirect_dma source(%dma_start3A_413 : memref<10000x128xf32, #tpu.memory_space<hbm>>) target(%arg24 : memref<128x128xf32, #tpu.memory_space<vmem>>) offsets(%arg10 : memref<128xi32, #tpu.memory_space<vmem>>) semaphore(%arg43 : memref<!tpu.dma_semaphore, #tpu.memory_space<semaphore_mem>>)
      %dma_wait3A_414 = arith.constant 0 : i32
      %dma_wait3A_415 = arith.constant 0 : i32
      %dma_wait3A_416 = tpu.memref_slice %arg2[%dma_wait3A_414, %dma_wait3A_415] : memref<10000x128xf32, #tpu.memory_space<hbm>> -> memref<10000x128xf32, #tpu.memory_space<hbm>>
      tpu.wait_indirect_dma semaphore(%arg43 : memref<!tpu.dma_semaphore, #tpu.memory_space<semaphore_mem>>) src(%dma_wait3A_416 : memref<10000x128xf32, #tpu.memory_space<hbm>>) dst(%arg24 : memref<128x128xf32, #tpu.memory_space<vmem>>)
      %mul3A_417 = arith.constant 32 : i32
      %mul3A_418 = arith.muli %add3A_389, %mul3A_417 : i32
      %add3A_419 = arith.addi %add3A, %mul3A_418 : i32
      %mul3A_420 = arith.constant 128 : i32
      %mul3A_421 = arith.muli %add3A_419, %mul3A_420 : i32
      %dma_wait3A_422 = tpu.memref_slice %arg4[%mul3A_421] : memref<327680xi32, #tpu.memory_space<hbm>> -> memref<128xi32, #tpu.memory_space<hbm>>
      %dma_wait3A_423 = tpu.memref_slice %arg4[%mul3A_421] : memref<327680xi32, #tpu.memory_space<hbm>> -> memref<128xi32, #tpu.memory_space<hbm>>
      tpu.wait_dma2 semaphore(%arg37 : memref<!tpu.dma_semaphore, #tpu.memory_space<semaphore_mem>>) src(%dma_wait3A_423 : memref<128xi32, #tpu.memory_space<hbm>>) dst(%arg18 : memref<128xi32, #tpu.memory_space<vmem>>)
      %dma_start3A_424 = arith.constant 0 : i32
      %dma_start3A_425 = arith.constant 0 : i32
      %dma_start3A_426 = tpu.memref_slice %arg6[%dma_start3A_424, %dma_start3A_425] : memref<10128x128xf32, #tpu.memory_space<vmem_shared>> -> memref<10128x128xf32, #tpu.memory_space<vmem_shared>>
      tpu.enqueue_indirect_dma source(%arg24 : memref<128x128xf32, #tpu.memory_space<vmem>>) target(%dma_start3A_426 : memref<10128x128xf32, #tpu.memory_space<vmem_shared>>) offsets(%arg18 : memref<128xi32, #tpu.memory_space<vmem>>) semaphore(%arg45 : memref<!tpu.dma_semaphore, #tpu.memory_space<semaphore_mem>>) {add = true}
      %mul3A_427 = arith.constant 8 : i32
      %mul3A_428 = arith.muli %scan3A_264, %mul3A_427 : i32
      %add3A_429 = arith.constant 4 : i32
      %add3A_430 = arith.addi %mul3A_428, %add3A_429 : i32
      %ge3A_431 = arith.constant 2 : i32
      %ge3A_432 = arith.cmpi sge, %add3A_430, %ge3A_431 : i32
      %convert_element_type3A_433 = arith.extui %ge3A_432 : i1 to i32
      %cond3A_434 = arith.constant 0 : i32
      %cond3A_435 = arith.cmpi ne, %convert_element_type3A_433, %cond3A_434 : i32
      scf.if %cond3A_435 {
        %dma_wait3A_591 = arith.constant 0 : i32
        %dma_wait3A_592 = arith.constant 0 : i32
        %dma_wait3A_593 = tpu.memref_slice %arg6[%dma_wait3A_591, %dma_wait3A_592] : memref<10128x128xf32, #tpu.memory_space<vmem_shared>> -> memref<10128x128xf32, #tpu.memory_space<vmem_shared>>
        tpu.wait_indirect_dma semaphore(%arg44 : memref<!tpu.dma_semaphore, #tpu.memory_space<semaphore_mem>>) src(%arg23 : memref<128x128xf32, #tpu.memory_space<vmem>>) dst(%dma_wait3A_593 : memref<10128x128xf32, #tpu.memory_space<vmem_shared>>)
      } else {
      }
      %add3A_436 = arith.constant 8 : i32
      %add3A_437 = arith.addi %add3A_430, %add3A_436 : i32
      %sub3A_438 = arith.constant 2 : i32
      %sub3A_439 = arith.subi %add3A_437, %sub3A_438 : i32
      %lt3A_440 = arith.constant 80 : i32
      %lt3A_441 = arith.cmpi slt, %sub3A_439, %lt3A_440 : i32
      %convert_element_type3A_442 = arith.extui %lt3A_441 : i1 to i32
      %cond3A_443 = arith.constant 0 : i32
      %cond3A_444 = arith.cmpi ne, %convert_element_type3A_442, %cond3A_443 : i32
      scf.if %cond3A_444 {
        %add3A_591 = arith.constant 8 : i32
        %add3A_592 = arith.addi %add3A_430, %add3A_591 : i32
        %sub3A_593 = arith.constant 2 : i32
        %sub3A_594 = arith.subi %add3A_592, %sub3A_593 : i32
        %mul3A_595 = arith.constant 32 : i32
        %mul3A_596 = arith.muli %sub3A_594, %mul3A_595 : i32
        %add3A_597 = arith.addi %add3A, %mul3A_596 : i32
        %mul3A_598 = arith.constant 128 : i32
        %mul3A_599 = arith.muli %add3A_597, %mul3A_598 : i32
        %dma_start3A_600 = tpu.memref_slice %arg3[%mul3A_599] : memref<327680xi32, #tpu.memory_space<hbm>> -> memref<128xi32, #tpu.memory_space<hbm>>
        %dma_start3A_601 = tpu.memref_slice %arg3[%mul3A_599] : memref<327680xi32, #tpu.memory_space<hbm>> -> memref<128xi32, #tpu.memory_space<hbm>>
        tpu.enqueue_dma source(%dma_start3A_601 : memref<128xi32, #tpu.memory_space<hbm>>) target(%arg9 : memref<128xi32, #tpu.memory_space<vmem>>) target_semaphore(%arg28 : memref<!tpu.dma_semaphore, #tpu.memory_space<semaphore_mem>>)
        %add3A_602 = arith.constant 8 : i32
        %add3A_603 = arith.addi %add3A_430, %add3A_602 : i32
        %sub3A_604 = arith.constant 2 : i32
        %sub3A_605 = arith.subi %add3A_603, %sub3A_604 : i32
        %mul3A_606 = arith.constant 32 : i32
        %mul3A_607 = arith.muli %sub3A_605, %mul3A_606 : i32
        %add3A_608 = arith.addi %add3A, %mul3A_607 : i32
        %mul3A_609 = arith.constant 128 : i32
        %mul3A_610 = arith.muli %add3A_608, %mul3A_609 : i32
        %dma_start3A_611 = tpu.memref_slice %arg4[%mul3A_610] : memref<327680xi32, #tpu.memory_space<hbm>> -> memref<128xi32, #tpu.memory_space<hbm>>
        %dma_start3A_612 = tpu.memref_slice %arg4[%mul3A_610] : memref<327680xi32, #tpu.memory_space<hbm>> -> memref<128xi32, #tpu.memory_space<hbm>>
        tpu.enqueue_dma source(%dma_start3A_612 : memref<128xi32, #tpu.memory_space<hbm>>) target(%arg17 : memref<128xi32, #tpu.memory_space<vmem>>) target_semaphore(%arg36 : memref<!tpu.dma_semaphore, #tpu.memory_space<semaphore_mem>>)
      } else {
      }
      %mul3A_445 = arith.constant 32 : i32
      %mul3A_446 = arith.muli %add3A_430, %mul3A_445 : i32
      %add3A_447 = arith.addi %add3A, %mul3A_446 : i32
      %mul3A_448 = arith.constant 128 : i32
      %mul3A_449 = arith.muli %add3A_447, %mul3A_448 : i32
      %dma_wait3A_450 = tpu.memref_slice %arg3[%mul3A_449] : memref<327680xi32, #tpu.memory_space<hbm>> -> memref<128xi32, #tpu.memory_space<hbm>>
      %dma_wait3A_451 = tpu.memref_slice %arg3[%mul3A_449] : memref<327680xi32, #tpu.memory_space<hbm>> -> memref<128xi32, #tpu.memory_space<hbm>>
      tpu.wait_dma2 semaphore(%arg30 : memref<!tpu.dma_semaphore, #tpu.memory_space<semaphore_mem>>) src(%dma_wait3A_451 : memref<128xi32, #tpu.memory_space<hbm>>) dst(%arg11 : memref<128xi32, #tpu.memory_space<vmem>>)
      %dma_start3A_452 = arith.constant 0 : i32
      %dma_start3A_453 = arith.constant 0 : i32
      %dma_start3A_454 = tpu.memref_slice %arg2[%dma_start3A_452, %dma_start3A_453] : memref<10000x128xf32, #tpu.memory_space<hbm>> -> memref<10000x128xf32, #tpu.memory_space<hbm>>
      tpu.enqueue_indirect_dma source(%dma_start3A_454 : memref<10000x128xf32, #tpu.memory_space<hbm>>) target(%arg23 : memref<128x128xf32, #tpu.memory_space<vmem>>) offsets(%arg11 : memref<128xi32, #tpu.memory_space<vmem>>) semaphore(%arg42 : memref<!tpu.dma_semaphore, #tpu.memory_space<semaphore_mem>>)
      %dma_wait3A_455 = arith.constant 0 : i32
      %dma_wait3A_456 = arith.constant 0 : i32
      %dma_wait3A_457 = tpu.memref_slice %arg2[%dma_wait3A_455, %dma_wait3A_456] : memref<10000x128xf32, #tpu.memory_space<hbm>> -> memref<10000x128xf32, #tpu.memory_space<hbm>>
      tpu.wait_indirect_dma semaphore(%arg42 : memref<!tpu.dma_semaphore, #tpu.memory_space<semaphore_mem>>) src(%dma_wait3A_457 : memref<10000x128xf32, #tpu.memory_space<hbm>>) dst(%arg23 : memref<128x128xf32, #tpu.memory_space<vmem>>)
      %mul3A_458 = arith.constant 32 : i32
      %mul3A_459 = arith.muli %add3A_430, %mul3A_458 : i32
      %add3A_460 = arith.addi %add3A, %mul3A_459 : i32
      %mul3A_461 = arith.constant 128 : i32
      %mul3A_462 = arith.muli %add3A_460, %mul3A_461 : i32
      %dma_wait3A_463 = tpu.memref_slice %arg4[%mul3A_462] : memref<327680xi32, #tpu.memory_space<hbm>> -> memref<128xi32, #tpu.memory_space<hbm>>
      %dma_wait3A_464 = tpu.memref_slice %arg4[%mul3A_462] : memref<327680xi32, #tpu.memory_space<hbm>> -> memref<128xi32, #tpu.memory_space<hbm>>
      tpu.wait_dma2 semaphore(%arg38 : memref<!tpu.dma_semaphore, #tpu.memory_space<semaphore_mem>>) src(%dma_wait3A_464 : memref<128xi32, #tpu.memory_space<hbm>>) dst(%arg19 : memref<128xi32, #tpu.memory_space<vmem>>)
      %dma_start3A_465 = arith.constant 0 : i32
      %dma_start3A_466 = arith.constant 0 : i32
      %dma_start3A_467 = tpu.memref_slice %arg6[%dma_start3A_465, %dma_start3A_466] : memref<10128x128xf32, #tpu.memory_space<vmem_shared>> -> memref<10128x128xf32, #tpu.memory_space<vmem_shared>>
      tpu.enqueue_indirect_dma source(%arg23 : memref<128x128xf32, #tpu.memory_space<vmem>>) target(%dma_start3A_467 : memref<10128x128xf32, #tpu.memory_space<vmem_shared>>) offsets(%arg19 : memref<128xi32, #tpu.memory_space<vmem>>) semaphore(%arg44 : memref<!tpu.dma_semaphore, #tpu.memory_space<semaphore_mem>>) {add = true}
      %mul3A_468 = arith.constant 8 : i32
      %mul3A_469 = arith.muli %scan3A_264, %mul3A_468 : i32
      %add3A_470 = arith.constant 5 : i32
      %add3A_471 = arith.addi %mul3A_469, %add3A_470 : i32
      %ge3A_472 = arith.constant 2 : i32
      %ge3A_473 = arith.cmpi sge, %add3A_471, %ge3A_472 : i32
      %convert_element_type3A_474 = arith.extui %ge3A_473 : i1 to i32
      %cond3A_475 = arith.constant 0 : i32
      %cond3A_476 = arith.cmpi ne, %convert_element_type3A_474, %cond3A_475 : i32
      scf.if %cond3A_476 {
        %dma_wait3A_591 = arith.constant 0 : i32
        %dma_wait3A_592 = arith.constant 0 : i32
        %dma_wait3A_593 = tpu.memref_slice %arg6[%dma_wait3A_591, %dma_wait3A_592] : memref<10128x128xf32, #tpu.memory_space<vmem_shared>> -> memref<10128x128xf32, #tpu.memory_space<vmem_shared>>
        tpu.wait_indirect_dma semaphore(%arg45 : memref<!tpu.dma_semaphore, #tpu.memory_space<semaphore_mem>>) src(%arg24 : memref<128x128xf32, #tpu.memory_space<vmem>>) dst(%dma_wait3A_593 : memref<10128x128xf32, #tpu.memory_space<vmem_shared>>)
      } else {
      }
      %add3A_477 = arith.constant 8 : i32
      %add3A_478 = arith.addi %add3A_471, %add3A_477 : i32
      %sub3A_479 = arith.constant 2 : i32
      %sub3A_480 = arith.subi %add3A_478, %sub3A_479 : i32
      %lt3A_481 = arith.constant 80 : i32
      %lt3A_482 = arith.cmpi slt, %sub3A_480, %lt3A_481 : i32
      %convert_element_type3A_483 = arith.extui %lt3A_482 : i1 to i32
      %cond3A_484 = arith.constant 0 : i32
      %cond3A_485 = arith.cmpi ne, %convert_element_type3A_483, %cond3A_484 : i32
      scf.if %cond3A_485 {
        %add3A_591 = arith.constant 8 : i32
        %add3A_592 = arith.addi %add3A_471, %add3A_591 : i32
        %sub3A_593 = arith.constant 2 : i32
        %sub3A_594 = arith.subi %add3A_592, %sub3A_593 : i32
        %mul3A_595 = arith.constant 32 : i32
        %mul3A_596 = arith.muli %sub3A_594, %mul3A_595 : i32
        %add3A_597 = arith.addi %add3A, %mul3A_596 : i32
        %mul3A_598 = arith.constant 128 : i32
        %mul3A_599 = arith.muli %add3A_597, %mul3A_598 : i32
        %dma_start3A_600 = tpu.memref_slice %arg3[%mul3A_599] : memref<327680xi32, #tpu.memory_space<hbm>> -> memref<128xi32, #tpu.memory_space<hbm>>
        %dma_start3A_601 = tpu.memref_slice %arg3[%mul3A_599] : memref<327680xi32, #tpu.memory_space<hbm>> -> memref<128xi32, #tpu.memory_space<hbm>>
        tpu.enqueue_dma source(%dma_start3A_601 : memref<128xi32, #tpu.memory_space<hbm>>) target(%arg10 : memref<128xi32, #tpu.memory_space<vmem>>) target_semaphore(%arg29 : memref<!tpu.dma_semaphore, #tpu.memory_space<semaphore_mem>>)
        %add3A_602 = arith.constant 8 : i32
        %add3A_603 = arith.addi %add3A_471, %add3A_602 : i32
        %sub3A_604 = arith.constant 2 : i32
        %sub3A_605 = arith.subi %add3A_603, %sub3A_604 : i32
        %mul3A_606 = arith.constant 32 : i32
        %mul3A_607 = arith.muli %sub3A_605, %mul3A_606 : i32
        %add3A_608 = arith.addi %add3A, %mul3A_607 : i32
        %mul3A_609 = arith.constant 128 : i32
        %mul3A_610 = arith.muli %add3A_608, %mul3A_609 : i32
        %dma_start3A_611 = tpu.memref_slice %arg4[%mul3A_610] : memref<327680xi32, #tpu.memory_space<hbm>> -> memref<128xi32, #tpu.memory_space<hbm>>
        %dma_start3A_612 = tpu.memref_slice %arg4[%mul3A_610] : memref<327680xi32, #tpu.memory_space<hbm>> -> memref<128xi32, #tpu.memory_space<hbm>>
        tpu.enqueue_dma source(%dma_start3A_612 : memref<128xi32, #tpu.memory_space<hbm>>) target(%arg18 : memref<128xi32, #tpu.memory_space<vmem>>) target_semaphore(%arg37 : memref<!tpu.dma_semaphore, #tpu.memory_space<semaphore_mem>>)
      } else {
      }
      %mul3A_486 = arith.constant 32 : i32
      %mul3A_487 = arith.muli %add3A_471, %mul3A_486 : i32
      %add3A_488 = arith.addi %add3A, %mul3A_487 : i32
      %mul3A_489 = arith.constant 128 : i32
      %mul3A_490 = arith.muli %add3A_488, %mul3A_489 : i32
      %dma_wait3A_491 = tpu.memref_slice %arg3[%mul3A_490] : memref<327680xi32, #tpu.memory_space<hbm>> -> memref<128xi32, #tpu.memory_space<hbm>>
      %dma_wait3A_492 = tpu.memref_slice %arg3[%mul3A_490] : memref<327680xi32, #tpu.memory_space<hbm>> -> memref<128xi32, #tpu.memory_space<hbm>>
      tpu.wait_dma2 semaphore(%arg31 : memref<!tpu.dma_semaphore, #tpu.memory_space<semaphore_mem>>) src(%dma_wait3A_492 : memref<128xi32, #tpu.memory_space<hbm>>) dst(%arg12 : memref<128xi32, #tpu.memory_space<vmem>>)
      %dma_start3A_493 = arith.constant 0 : i32
      %dma_start3A_494 = arith.constant 0 : i32
      %dma_start3A_495 = tpu.memref_slice %arg2[%dma_start3A_493, %dma_start3A_494] : memref<10000x128xf32, #tpu.memory_space<hbm>> -> memref<10000x128xf32, #tpu.memory_space<hbm>>
      tpu.enqueue_indirect_dma source(%dma_start3A_495 : memref<10000x128xf32, #tpu.memory_space<hbm>>) target(%arg24 : memref<128x128xf32, #tpu.memory_space<vmem>>) offsets(%arg12 : memref<128xi32, #tpu.memory_space<vmem>>) semaphore(%arg43 : memref<!tpu.dma_semaphore, #tpu.memory_space<semaphore_mem>>)
      %dma_wait3A_496 = arith.constant 0 : i32
      %dma_wait3A_497 = arith.constant 0 : i32
      %dma_wait3A_498 = tpu.memref_slice %arg2[%dma_wait3A_496, %dma_wait3A_497] : memref<10000x128xf32, #tpu.memory_space<hbm>> -> memref<10000x128xf32, #tpu.memory_space<hbm>>
      tpu.wait_indirect_dma semaphore(%arg43 : memref<!tpu.dma_semaphore, #tpu.memory_space<semaphore_mem>>) src(%dma_wait3A_498 : memref<10000x128xf32, #tpu.memory_space<hbm>>) dst(%arg24 : memref<128x128xf32, #tpu.memory_space<vmem>>)
      %mul3A_499 = arith.constant 32 : i32
      %mul3A_500 = arith.muli %add3A_471, %mul3A_499 : i32
      %add3A_501 = arith.addi %add3A, %mul3A_500 : i32
      %mul3A_502 = arith.constant 128 : i32
      %mul3A_503 = arith.muli %add3A_501, %mul3A_502 : i32
      %dma_wait3A_504 = tpu.memref_slice %arg4[%mul3A_503] : memref<327680xi32, #tpu.memory_space<hbm>> -> memref<128xi32, #tpu.memory_space<hbm>>
      %dma_wait3A_505 = tpu.memref_slice %arg4[%mul3A_503] : memref<327680xi32, #tpu.memory_space<hbm>> -> memref<128xi32, #tpu.memory_space<hbm>>
      tpu.wait_dma2 semaphore(%arg39 : memref<!tpu.dma_semaphore, #tpu.memory_space<semaphore_mem>>) src(%dma_wait3A_505 : memref<128xi32, #tpu.memory_space<hbm>>) dst(%arg20 : memref<128xi32, #tpu.memory_space<vmem>>)
      %dma_start3A_506 = arith.constant 0 : i32
      %dma_start3A_507 = arith.constant 0 : i32
      %dma_start3A_508 = tpu.memref_slice %arg6[%dma_start3A_506, %dma_start3A_507] : memref<10128x128xf32, #tpu.memory_space<vmem_shared>> -> memref<10128x128xf32, #tpu.memory_space<vmem_shared>>
      tpu.enqueue_indirect_dma source(%arg24 : memref<128x128xf32, #tpu.memory_space<vmem>>) target(%dma_start3A_508 : memref<10128x128xf32, #tpu.memory_space<vmem_shared>>) offsets(%arg20 : memref<128xi32, #tpu.memory_space<vmem>>) semaphore(%arg45 : memref<!tpu.dma_semaphore, #tpu.memory_space<semaphore_mem>>) {add = true}
      %mul3A_509 = arith.constant 8 : i32
      %mul3A_510 = arith.muli %scan3A_264, %mul3A_509 : i32
      %add3A_511 = arith.constant 6 : i32
      %add3A_512 = arith.addi %mul3A_510, %add3A_511 : i32
      %ge3A_513 = arith.constant 2 : i32
      %ge3A_514 = arith.cmpi sge, %add3A_512, %ge3A_513 : i32
      %convert_element_type3A_515 = arith.extui %ge3A_514 : i1 to i32
      %cond3A_516 = arith.constant 0 : i32
      %cond3A_517 = arith.cmpi ne, %convert_element_type3A_515, %cond3A_516 : i32
      scf.if %cond3A_517 {
        %dma_wait3A_591 = arith.constant 0 : i32
        %dma_wait3A_592 = arith.constant 0 : i32
        %dma_wait3A_593 = tpu.memref_slice %arg6[%dma_wait3A_591, %dma_wait3A_592] : memref<10128x128xf32, #tpu.memory_space<vmem_shared>> -> memref<10128x128xf32, #tpu.memory_space<vmem_shared>>
        tpu.wait_indirect_dma semaphore(%arg44 : memref<!tpu.dma_semaphore, #tpu.memory_space<semaphore_mem>>) src(%arg23 : memref<128x128xf32, #tpu.memory_space<vmem>>) dst(%dma_wait3A_593 : memref<10128x128xf32, #tpu.memory_space<vmem_shared>>)
      } else {
      }
      %add3A_518 = arith.constant 8 : i32
      %add3A_519 = arith.addi %add3A_512, %add3A_518 : i32
      %sub3A_520 = arith.constant 2 : i32
      %sub3A_521 = arith.subi %add3A_519, %sub3A_520 : i32
      %lt3A_522 = arith.constant 80 : i32
      %lt3A_523 = arith.cmpi slt, %sub3A_521, %lt3A_522 : i32
      %convert_element_type3A_524 = arith.extui %lt3A_523 : i1 to i32
      %cond3A_525 = arith.constant 0 : i32
      %cond3A_526 = arith.cmpi ne, %convert_element_type3A_524, %cond3A_525 : i32
      scf.if %cond3A_526 {
        %add3A_591 = arith.constant 8 : i32
        %add3A_592 = arith.addi %add3A_512, %add3A_591 : i32
        %sub3A_593 = arith.constant 2 : i32
        %sub3A_594 = arith.subi %add3A_592, %sub3A_593 : i32
        %mul3A_595 = arith.constant 32 : i32
        %mul3A_596 = arith.muli %sub3A_594, %mul3A_595 : i32
        %add3A_597 = arith.addi %add3A, %mul3A_596 : i32
        %mul3A_598 = arith.constant 128 : i32
        %mul3A_599 = arith.muli %add3A_597, %mul3A_598 : i32
        %dma_start3A_600 = tpu.memref_slice %arg3[%mul3A_599] : memref<327680xi32, #tpu.memory_space<hbm>> -> memref<128xi32, #tpu.memory_space<hbm>>
        %dma_start3A_601 = tpu.memref_slice %arg3[%mul3A_599] : memref<327680xi32, #tpu.memory_space<hbm>> -> memref<128xi32, #tpu.memory_space<hbm>>
        tpu.enqueue_dma source(%dma_start3A_601 : memref<128xi32, #tpu.memory_space<hbm>>) target(%arg11 : memref<128xi32, #tpu.memory_space<vmem>>) target_semaphore(%arg30 : memref<!tpu.dma_semaphore, #tpu.memory_space<semaphore_mem>>)
        %add3A_602 = arith.constant 8 : i32
        %add3A_603 = arith.addi %add3A_512, %add3A_602 : i32
        %sub3A_604 = arith.constant 2 : i32
        %sub3A_605 = arith.subi %add3A_603, %sub3A_604 : i32
        %mul3A_606 = arith.constant 32 : i32
        %mul3A_607 = arith.muli %sub3A_605, %mul3A_606 : i32
        %add3A_608 = arith.addi %add3A, %mul3A_607 : i32
        %mul3A_609 = arith.constant 128 : i32
        %mul3A_610 = arith.muli %add3A_608, %mul3A_609 : i32
        %dma_start3A_611 = tpu.memref_slice %arg4[%mul3A_610] : memref<327680xi32, #tpu.memory_space<hbm>> -> memref<128xi32, #tpu.memory_space<hbm>>
        %dma_start3A_612 = tpu.memref_slice %arg4[%mul3A_610] : memref<327680xi32, #tpu.memory_space<hbm>> -> memref<128xi32, #tpu.memory_space<hbm>>
        tpu.enqueue_dma source(%dma_start3A_612 : memref<128xi32, #tpu.memory_space<hbm>>) target(%arg19 : memref<128xi32, #tpu.memory_space<vmem>>) target_semaphore(%arg38 : memref<!tpu.dma_semaphore, #tpu.memory_space<semaphore_mem>>)
      } else {
      }
      %mul3A_527 = arith.constant 32 : i32
      %mul3A_528 = arith.muli %add3A_512, %mul3A_527 : i32
      %add3A_529 = arith.addi %add3A, %mul3A_528 : i32
      %mul3A_530 = arith.constant 128 : i32
      %mul3A_531 = arith.muli %add3A_529, %mul3A_530 : i32
      %dma_wait3A_532 = tpu.memref_slice %arg3[%mul3A_531] : memref<327680xi32, #tpu.memory_space<hbm>> -> memref<128xi32, #tpu.memory_space<hbm>>
      %dma_wait3A_533 = tpu.memref_slice %arg3[%mul3A_531] : memref<327680xi32, #tpu.memory_space<hbm>> -> memref<128xi32, #tpu.memory_space<hbm>>
      tpu.wait_dma2 semaphore(%arg32 : memref<!tpu.dma_semaphore, #tpu.memory_space<semaphore_mem>>) src(%dma_wait3A_533 : memref<128xi32, #tpu.memory_space<hbm>>) dst(%arg13 : memref<128xi32, #tpu.memory_space<vmem>>)
      %dma_start3A_534 = arith.constant 0 : i32
      %dma_start3A_535 = arith.constant 0 : i32
      %dma_start3A_536 = tpu.memref_slice %arg2[%dma_start3A_534, %dma_start3A_535] : memref<10000x128xf32, #tpu.memory_space<hbm>> -> memref<10000x128xf32, #tpu.memory_space<hbm>>
      tpu.enqueue_indirect_dma source(%dma_start3A_536 : memref<10000x128xf32, #tpu.memory_space<hbm>>) target(%arg23 : memref<128x128xf32, #tpu.memory_space<vmem>>) offsets(%arg13 : memref<128xi32, #tpu.memory_space<vmem>>) semaphore(%arg42 : memref<!tpu.dma_semaphore, #tpu.memory_space<semaphore_mem>>)
      %dma_wait3A_537 = arith.constant 0 : i32
      %dma_wait3A_538 = arith.constant 0 : i32
      %dma_wait3A_539 = tpu.memref_slice %arg2[%dma_wait3A_537, %dma_wait3A_538] : memref<10000x128xf32, #tpu.memory_space<hbm>> -> memref<10000x128xf32, #tpu.memory_space<hbm>>
      tpu.wait_indirect_dma semaphore(%arg42 : memref<!tpu.dma_semaphore, #tpu.memory_space<semaphore_mem>>) src(%dma_wait3A_539 : memref<10000x128xf32, #tpu.memory_space<hbm>>) dst(%arg23 : memref<128x128xf32, #tpu.memory_space<vmem>>)
      %mul3A_540 = arith.constant 32 : i32
      %mul3A_541 = arith.muli %add3A_512, %mul3A_540 : i32
      %add3A_542 = arith.addi %add3A, %mul3A_541 : i32
      %mul3A_543 = arith.constant 128 : i32
      %mul3A_544 = arith.muli %add3A_542, %mul3A_543 : i32
      %dma_wait3A_545 = tpu.memref_slice %arg4[%mul3A_544] : memref<327680xi32, #tpu.memory_space<hbm>> -> memref<128xi32, #tpu.memory_space<hbm>>
      %dma_wait3A_546 = tpu.memref_slice %arg4[%mul3A_544] : memref<327680xi32, #tpu.memory_space<hbm>> -> memref<128xi32, #tpu.memory_space<hbm>>
      tpu.wait_dma2 semaphore(%arg40 : memref<!tpu.dma_semaphore, #tpu.memory_space<semaphore_mem>>) src(%dma_wait3A_546 : memref<128xi32, #tpu.memory_space<hbm>>) dst(%arg21 : memref<128xi32, #tpu.memory_space<vmem>>)
      %dma_start3A_547 = arith.constant 0 : i32
      %dma_start3A_548 = arith.constant 0 : i32
      %dma_start3A_549 = tpu.memref_slice %arg6[%dma_start3A_547, %dma_start3A_548] : memref<10128x128xf32, #tpu.memory_space<vmem_shared>> -> memref<10128x128xf32, #tpu.memory_space<vmem_shared>>
      tpu.enqueue_indirect_dma source(%arg23 : memref<128x128xf32, #tpu.memory_space<vmem>>) target(%dma_start3A_549 : memref<10128x128xf32, #tpu.memory_space<vmem_shared>>) offsets(%arg21 : memref<128xi32, #tpu.memory_space<vmem>>) semaphore(%arg44 : memref<!tpu.dma_semaphore, #tpu.memory_space<semaphore_mem>>) {add = true}
      %mul3A_550 = arith.constant 8 : i32
      %mul3A_551 = arith.muli %scan3A_264, %mul3A_550 : i32
      %add3A_552 = arith.constant 7 : i32
      %add3A_553 = arith.addi %mul3A_551, %add3A_552 : i32
      %ge3A_554 = arith.constant 2 : i32
      %ge3A_555 = arith.cmpi sge, %add3A_553, %ge3A_554 : i32
      %convert_element_type3A_556 = arith.extui %ge3A_555 : i1 to i32
      %cond3A_557 = arith.constant 0 : i32
      %cond3A_558 = arith.cmpi ne, %convert_element_type3A_556, %cond3A_557 : i32
      scf.if %cond3A_558 {
        %dma_wait3A_591 = arith.constant 0 : i32
        %dma_wait3A_592 = arith.constant 0 : i32
        %dma_wait3A_593 = tpu.memref_slice %arg6[%dma_wait3A_591, %dma_wait3A_592] : memref<10128x128xf32, #tpu.memory_space<vmem_shared>> -> memref<10128x128xf32, #tpu.memory_space<vmem_shared>>
        tpu.wait_indirect_dma semaphore(%arg45 : memref<!tpu.dma_semaphore, #tpu.memory_space<semaphore_mem>>) src(%arg24 : memref<128x128xf32, #tpu.memory_space<vmem>>) dst(%dma_wait3A_593 : memref<10128x128xf32, #tpu.memory_space<vmem_shared>>)
      } else {
      }
      %add3A_559 = arith.constant 8 : i32
      %add3A_560 = arith.addi %add3A_553, %add3A_559 : i32
      %sub3A_561 = arith.constant 2 : i32
      %sub3A_562 = arith.subi %add3A_560, %sub3A_561 : i32
      %lt3A_563 = arith.constant 80 : i32
      %lt3A_564 = arith.cmpi slt, %sub3A_562, %lt3A_563 : i32
      %convert_element_type3A_565 = arith.extui %lt3A_564 : i1 to i32
      %cond3A_566 = arith.constant 0 : i32
      %cond3A_567 = arith.cmpi ne, %convert_element_type3A_565, %cond3A_566 : i32
      scf.if %cond3A_567 {
        %add3A_591 = arith.constant 8 : i32
        %add3A_592 = arith.addi %add3A_553, %add3A_591 : i32
        %sub3A_593 = arith.constant 2 : i32
        %sub3A_594 = arith.subi %add3A_592, %sub3A_593 : i32
        %mul3A_595 = arith.constant 32 : i32
        %mul3A_596 = arith.muli %sub3A_594, %mul3A_595 : i32
        %add3A_597 = arith.addi %add3A, %mul3A_596 : i32
        %mul3A_598 = arith.constant 128 : i32
        %mul3A_599 = arith.muli %add3A_597, %mul3A_598 : i32
        %dma_start3A_600 = tpu.memref_slice %arg3[%mul3A_599] : memref<327680xi32, #tpu.memory_space<hbm>> -> memref<128xi32, #tpu.memory_space<hbm>>
        %dma_start3A_601 = tpu.memref_slice %arg3[%mul3A_599] : memref<327680xi32, #tpu.memory_space<hbm>> -> memref<128xi32, #tpu.memory_space<hbm>>
        tpu.enqueue_dma source(%dma_start3A_601 : memref<128xi32, #tpu.memory_space<hbm>>) target(%arg12 : memref<128xi32, #tpu.memory_space<vmem>>) target_semaphore(%arg31 : memref<!tpu.dma_semaphore, #tpu.memory_space<semaphore_mem>>)
        %add3A_602 = arith.constant 8 : i32
        %add3A_603 = arith.addi %add3A_553, %add3A_602 : i32
        %sub3A_604 = arith.constant 2 : i32
        %sub3A_605 = arith.subi %add3A_603, %sub3A_604 : i32
        %mul3A_606 = arith.constant 32 : i32
        %mul3A_607 = arith.muli %sub3A_605, %mul3A_606 : i32
        %add3A_608 = arith.addi %add3A, %mul3A_607 : i32
        %mul3A_609 = arith.constant 128 : i32
        %mul3A_610 = arith.muli %add3A_608, %mul3A_609 : i32
        %dma_start3A_611 = tpu.memref_slice %arg4[%mul3A_610] : memref<327680xi32, #tpu.memory_space<hbm>> -> memref<128xi32, #tpu.memory_space<hbm>>
        %dma_start3A_612 = tpu.memref_slice %arg4[%mul3A_610] : memref<327680xi32, #tpu.memory_space<hbm>> -> memref<128xi32, #tpu.memory_space<hbm>>
        tpu.enqueue_dma source(%dma_start3A_612 : memref<128xi32, #tpu.memory_space<hbm>>) target(%arg20 : memref<128xi32, #tpu.memory_space<vmem>>) target_semaphore(%arg39 : memref<!tpu.dma_semaphore, #tpu.memory_space<semaphore_mem>>)
      } else {
      }
      %mul3A_568 = arith.constant 32 : i32
      %mul3A_569 = arith.muli %add3A_553, %mul3A_568 : i32
      %add3A_570 = arith.addi %add3A, %mul3A_569 : i32
      %mul3A_571 = arith.constant 128 : i32
      %mul3A_572 = arith.muli %add3A_570, %mul3A_571 : i32
      %dma_wait3A_573 = tpu.memref_slice %arg3[%mul3A_572] : memref<327680xi32, #tpu.memory_space<hbm>> -> memref<128xi32, #tpu.memory_space<hbm>>
      %dma_wait3A_574 = tpu.memref_slice %arg3[%mul3A_572] : memref<327680xi32, #tpu.memory_space<hbm>> -> memref<128xi32, #tpu.memory_space<hbm>>
      tpu.wait_dma2 semaphore(%arg33 : memref<!tpu.dma_semaphore, #tpu.memory_space<semaphore_mem>>) src(%dma_wait3A_574 : memref<128xi32, #tpu.memory_space<hbm>>) dst(%arg14 : memref<128xi32, #tpu.memory_space<vmem>>)
      %dma_start3A_575 = arith.constant 0 : i32
      %dma_start3A_576 = arith.constant 0 : i32
      %dma_start3A_577 = tpu.memref_slice %arg2[%dma_start3A_575, %dma_start3A_576] : memref<10000x128xf32, #tpu.memory_space<hbm>> -> memref<10000x128xf32, #tpu.memory_space<hbm>>
      tpu.enqueue_indirect_dma source(%dma_start3A_577 : memref<10000x128xf32, #tpu.memory_space<hbm>>) target(%arg24 : memref<128x128xf32, #tpu.memory_space<vmem>>) offsets(%arg14 : memref<128xi32, #tpu.memory_space<vmem>>) semaphore(%arg43 : memref<!tpu.dma_semaphore, #tpu.memory_space<semaphore_mem>>)
      %dma_wait3A_578 = arith.constant 0 : i32
      %dma_wait3A_579 = arith.constant 0 : i32
      %dma_wait3A_580 = tpu.memref_slice %arg2[%dma_wait3A_578, %dma_wait3A_579] : memref<10000x128xf32, #tpu.memory_space<hbm>> -> memref<10000x128xf32, #tpu.memory_space<hbm>>
      tpu.wait_indirect_dma semaphore(%arg43 : memref<!tpu.dma_semaphore, #tpu.memory_space<semaphore_mem>>) src(%dma_wait3A_580 : memref<10000x128xf32, #tpu.memory_space<hbm>>) dst(%arg24 : memref<128x128xf32, #tpu.memory_space<vmem>>)
      %mul3A_581 = arith.constant 32 : i32
      %mul3A_582 = arith.muli %add3A_553, %mul3A_581 : i32
      %add3A_583 = arith.addi %add3A, %mul3A_582 : i32
      %mul3A_584 = arith.constant 128 : i32
      %mul3A_585 = arith.muli %add3A_583, %mul3A_584 : i32
      %dma_wait3A_586 = tpu.memref_slice %arg4[%mul3A_585] : memref<327680xi32, #tpu.memory_space<hbm>> -> memref<128xi32, #tpu.memory_space<hbm>>
      %dma_wait3A_587 = tpu.memref_slice %arg4[%mul3A_585] : memref<327680xi32, #tpu.memory_space<hbm>> -> memref<128xi32, #tpu.memory_space<hbm>>
      tpu.wait_dma2 semaphore(%arg41 : memref<!tpu.dma_semaphore, #tpu.memory_space<semaphore_mem>>) src(%dma_wait3A_587 : memref<128xi32, #tpu.memory_space<hbm>>) dst(%arg22 : memref<128xi32, #tpu.memory_space<vmem>>)
      %dma_start3A_588 = arith.constant 0 : i32
      %dma_start3A_589 = arith.constant 0 : i32
      %dma_start3A_590 = tpu.memref_slice %arg6[%dma_start3A_588, %dma_start3A_589] : memref<10128x128xf32, #tpu.memory_space<vmem_shared>> -> memref<10128x128xf32, #tpu.memory_space<vmem_shared>>
      tpu.enqueue_indirect_dma source(%arg24 : memref<128x128xf32, #tpu.memory_space<vmem>>) target(%dma_start3A_590 : memref<10128x128xf32, #tpu.memory_space<vmem_shared>>) offsets(%arg22 : memref<128xi32, #tpu.memory_space<vmem>>) semaphore(%arg45 : memref<!tpu.dma_semaphore, #tpu.memory_space<semaphore_mem>>) {add = true}
    }
    %scan3A_247 = arith.constant 10 : i32
    %dma_wait3A_248 = arith.constant 0 : i32
    %dma_wait3A_249 = arith.constant 0 : i32
    %dma_wait3A_250 = tpu.memref_slice %arg6[%dma_wait3A_248, %dma_wait3A_249] : memref<10128x128xf32, #tpu.memory_space<vmem_shared>> -> memref<10128x128xf32, #tpu.memory_space<vmem_shared>>
    tpu.wait_indirect_dma semaphore(%arg44 : memref<!tpu.dma_semaphore, #tpu.memory_space<semaphore_mem>>) src(%arg23 : memref<128x128xf32, #tpu.memory_space<vmem>>) dst(%dma_wait3A_250 : memref<10128x128xf32, #tpu.memory_space<vmem_shared>>)
    %dma_wait3A_251 = arith.constant 0 : i32
    %dma_wait3A_252 = arith.constant 0 : i32
    %dma_wait3A_253 = tpu.memref_slice %arg6[%dma_wait3A_251, %dma_wait3A_252] : memref<10128x128xf32, #tpu.memory_space<vmem_shared>> -> memref<10128x128xf32, #tpu.memory_space<vmem_shared>>
    tpu.wait_indirect_dma semaphore(%arg45 : memref<!tpu.dma_semaphore, #tpu.memory_space<semaphore_mem>>) src(%arg24 : memref<128x128xf32, #tpu.memory_space<vmem>>) dst(%dma_wait3A_253 : memref<10128x128xf32, #tpu.memory_space<vmem_shared>>)
    %barrier3A_254 = arith.constant 0 : index
    tpu.barrier barrier_id(%barrier3A_254)
    %lt3A = arith.constant 15 : i32
    %lt3A_255 = arith.cmpi slt, %arg1, %lt3A : i32
    %convert_element_type3A_256 = arith.extui %lt3A_255 : i1 to i32
    %cond3A_257 = arith.constant 0 : i32
    %cond3A_258 = arith.cmpi ne, %convert_element_type3A_256, %cond3A_257 : i32
    scf.if %cond3A_258 {
      "tpu.region"() ({
        %run_scoped3A = tpu.sem_alloc : memref<!tpu.dma_semaphore, #tpu.memory_space<semaphore_mem>>
        %dma_start3A_264 = arith.constant 0 : i32
        %dma_start3A_265 = tpu.memref_slice %arg5[%arg0, %mul3A_79, %dma_start3A_264] : memref<2x10128x128xf32, #tpu.memory_space<hbm>> -> memref<1x624x128xf32, #tpu.memory_space<hbm>>
        %dma_start3A_266 = tpu.memref_squeeze %dma_start3A_265 : memref<1x624x128xf32, #tpu.memory_space<hbm>> -> memref<624x128xf32, #tpu.memory_space<hbm>>
        %dma_start3A_267 = arith.constant 0 : i32
        %dma_start3A_268 = tpu.memref_slice %arg6[%mul3A_79, %dma_start3A_267] : memref<10128x128xf32, #tpu.memory_space<vmem_shared>> -> memref<624x128xf32, #tpu.memory_space<vmem_shared>>
        tpu.enqueue_dma source(%dma_start3A_268 : memref<624x128xf32, #tpu.memory_space<vmem_shared>>) target(%dma_start3A_266 : memref<624x128xf32, #tpu.memory_space<hbm>>) target_semaphore(%run_scoped3A : memref<!tpu.dma_semaphore, #tpu.memory_space<semaphore_mem>>)
        %dma_wait3A_269 = arith.constant 0 : i32
        %dma_wait3A_270 = tpu.memref_slice %arg5[%arg0, %mul3A_79, %dma_wait3A_269] : memref<2x10128x128xf32, #tpu.memory_space<hbm>> -> memref<1x624x128xf32, #tpu.memory_space<hbm>>
        %dma_wait3A_271 = tpu.memref_squeeze %dma_wait3A_270 : memref<1x624x128xf32, #tpu.memory_space<hbm>> -> memref<624x128xf32, #tpu.memory_space<hbm>>
        %dma_wait3A_272 = arith.constant 0 : i32
        %dma_wait3A_273 = tpu.memref_slice %arg6[%mul3A_79, %dma_wait3A_272] : memref<10128x128xf32, #tpu.memory_space<vmem_shared>> -> memref<624x128xf32, #tpu.memory_space<vmem_shared>>
        tpu.wait_dma2 semaphore(%run_scoped3A : memref<!tpu.dma_semaphore, #tpu.memory_space<semaphore_mem>>) src(%dma_wait3A_273 : memref<624x128xf32, #tpu.memory_space<vmem_shared>>) dst(%dma_wait3A_271 : memref<624x128xf32, #tpu.memory_space<hbm>>)
        tpu.yield
      }) : () -> ()
    } else {
    }
    %eq3A_259 = arith.constant 15 : i32
    %eq3A_260 = arith.cmpi eq, %arg1, %eq3A_259 : i32
    %convert_element_type3A_261 = arith.extui %eq3A_260 : i1 to i32
    %cond3A_262 = arith.constant 0 : i32
    %cond3A_263 = arith.cmpi ne, %convert_element_type3A_261, %cond3A_262 : i32
    scf.if %cond3A_263 {
      "tpu.region"() ({
        %run_scoped3A = tpu.sem_alloc : memref<!tpu.dma_semaphore, #tpu.memory_space<semaphore_mem>>
        %dma_start3A_264 = arith.constant 0 : i32
        %dma_start3A_265 = tpu.memref_slice %arg5[%arg0, %mul3A_79, %dma_start3A_264] : memref<2x10128x128xf32, #tpu.memory_space<hbm>> -> memref<1x768x128xf32, #tpu.memory_space<hbm>>
        %dma_start3A_266 = tpu.memref_squeeze %dma_start3A_265 : memref<1x768x128xf32, #tpu.memory_space<hbm>> -> memref<768x128xf32, #tpu.memory_space<hbm>>
        %dma_start3A_267 = arith.constant 0 : i32
        %dma_start3A_268 = tpu.memref_slice %arg6[%mul3A_79, %dma_start3A_267] : memref<10128x128xf32, #tpu.memory_space<vmem_shared>> -> memref<768x128xf32, #tpu.memory_space<vmem_shared>>
        tpu.enqueue_dma source(%dma_start3A_268 : memref<768x128xf32, #tpu.memory_space<vmem_shared>>) target(%dma_start3A_266 : memref<768x128xf32, #tpu.memory_space<hbm>>) target_semaphore(%run_scoped3A : memref<!tpu.dma_semaphore, #tpu.memory_space<semaphore_mem>>)
        %dma_wait3A_269 = arith.constant 0 : i32
        %dma_wait3A_270 = tpu.memref_slice %arg5[%arg0, %mul3A_79, %dma_wait3A_269] : memref<2x10128x128xf32, #tpu.memory_space<hbm>> -> memref<1x768x128xf32, #tpu.memory_space<hbm>>
        %dma_wait3A_271 = tpu.memref_squeeze %dma_wait3A_270 : memref<1x768x128xf32, #tpu.memory_space<hbm>> -> memref<768x128xf32, #tpu.memory_space<hbm>>
        %dma_wait3A_272 = arith.constant 0 : i32
        %dma_wait3A_273 = tpu.memref_slice %arg6[%mul3A_79, %dma_wait3A_272] : memref<10128x128xf32, #tpu.memory_space<vmem_shared>> -> memref<768x128xf32, #tpu.memory_space<vmem_shared>>
        tpu.wait_dma2 semaphore(%run_scoped3A : memref<!tpu.dma_semaphore, #tpu.memory_space<semaphore_mem>>) src(%dma_wait3A_273 : memref<768x128xf32, #tpu.memory_space<vmem_shared>>) dst(%dma_wait3A_271 : memref<768x128xf32, #tpu.memory_space<hbm>>)
        tpu.yield
      }) : () -> ()
    } else {
    }
    return
  }
}

module attributes {stable_mosaic.version = 14 : i64} {
  func.func @_mlp_body(%arg0: memref<10000x128xf32, #tpu.memory_space<vmem>>, %arg1: memref<2x10128x128xf32, #tpu.memory_space<vmem>>, %arg2: memref<128x200xf32, #tpu.memory_space<vmem>>, %arg3: memref<1x200xf32, #tpu.memory_space<vmem>>, %arg4: memref<1x200xf32, #tpu.memory_space<vmem>>, %arg5: memref<1x200xf32, #tpu.memory_space<vmem>>, %arg6: memref<200x128xf32, #tpu.memory_space<vmem>>, %arg7: memref<1x128xf32, #tpu.memory_space<vmem>>, %arg8: memref<10000x128xf32, #tpu.memory_space<vmem>>) attributes {dimension_semantics = [], scalar_prefetch = 0 : i64, scratch_operands = 0 : i64, tpu.core_type = #tpu.core_type<tc>} {
    %get3A = arith.constant 0 : index
    %get3A_0 = arith.constant 0 : index
    %get3A_1 = vector.load %arg0[%get3A, %get3A_0] : memref<10000x128xf32, #tpu.memory_space<vmem>>, vector<10000x128xf32>
    %get3A_2 = arith.constant 0 : index
    %get3A_3 = arith.constant 0 : index
    %get3A_4 = arith.constant 0 : index
    %get3A_5 = vector.load %arg1[%get3A_2, %get3A_3, %get3A_4] : memref<2x10128x128xf32, #tpu.memory_space<vmem>>, vector<1x10000x128xf32>
    %get3A_6 = vector.shape_cast %get3A_5 : vector<1x10000x128xf32> to vector<10000x128xf32>
    %add3A = arith.addf %get3A_1, %get3A_6 : vector<10000x128xf32>
    %get3A_7 = arith.constant 1 : index
    %get3A_8 = arith.constant 0 : index
    %get3A_9 = arith.constant 0 : index
    %get3A_10 = vector.load %arg1[%get3A_7, %get3A_8, %get3A_9] : memref<2x10128x128xf32, #tpu.memory_space<vmem>>, vector<1x10000x128xf32>
    %get3A_11 = vector.shape_cast %get3A_10 : vector<1x10000x128xf32> to vector<10000x128xf32>
    %add3A_12 = arith.addf %add3A, %get3A_11 : vector<10000x128xf32>
    %get3A_13 = arith.constant 0 : index
    %get3A_14 = arith.constant 0 : index
    %get3A_15 = vector.load %arg2[%get3A_13, %get3A_14] : memref<128x200xf32, #tpu.memory_space<vmem>>, vector<128x200xf32>
    %dot_general3A = arith.constant dense<0.000000e+00> : vector<10000x200xf32>
    %dot_general3A_16 = tpu.matmul %add3A_12, %get3A_15, %dot_general3A {dimension_numbers = #tpu.dot_dimension_numbers<[1], [0], [0], [1], [0, 0, 1, 1], [], []>, transpose_lhs_hint = false} : vector<10000x128xf32>, vector<128x200xf32>, vector<10000x200xf32> -> vector<10000x200xf32>
    %get3A_17 = arith.constant 0 : index
    %get3A_18 = arith.constant 0 : index
    %get3A_19 = vector.load %arg3[%get3A_17, %get3A_18] : memref<1x200xf32, #tpu.memory_space<vmem>>, vector<1x200xf32>
    %add3A_20 = vector.broadcast %get3A_19 : vector<1x200xf32> to vector<10000x200xf32>
    %add3A_21 = arith.addf %dot_general3A_16, %add3A_20 : vector<10000x200xf32>
    %reduce_sum3A = arith.constant dense<0.000000e+00> : vector<200xf32>
    %reduce_sum3A_22 = vector.multi_reduction <add>, %add3A_21, %reduce_sum3A [0] : vector<10000x200xf32> to vector<200xf32>
    %broadcast_in_dim3A = vector.shape_cast %reduce_sum3A_22 : vector<200xf32> to vector<1x200xf32>
    %div3A = arith.constant 1.000000e+04 : f32
    %div3A_23 = vector.broadcast %div3A : f32 to vector<1x200xf32>
    %div3A_24 = arith.divf %broadcast_in_dim3A, %div3A_23 : vector<1x200xf32>
    %sub3A = vector.broadcast %div3A_24 : vector<1x200xf32> to vector<10000x200xf32>
    %sub3A_25 = arith.subf %add3A_21, %sub3A : vector<10000x200xf32>
    %mul3A = arith.mulf %sub3A_25, %sub3A_25 : vector<10000x200xf32>
    %reduce_sum3A_26 = arith.constant dense<0.000000e+00> : vector<200xf32>
    %reduce_sum3A_27 = vector.multi_reduction <add>, %mul3A, %reduce_sum3A_26 [0] : vector<10000x200xf32> to vector<200xf32>
    %broadcast_in_dim3A_28 = vector.shape_cast %reduce_sum3A_27 : vector<200xf32> to vector<1x200xf32>
    %div3A_29 = arith.constant 1.000000e+04 : f32
    %div3A_30 = vector.broadcast %div3A_29 : f32 to vector<1x200xf32>
    %div3A_31 = arith.divf %broadcast_in_dim3A_28, %div3A_30 : vector<1x200xf32>
    %add3A_32 = arith.constant 9.99999974E-6 : f32
    %add3A_33 = vector.broadcast %add3A_32 : f32 to vector<1x200xf32>
    %add3A_34 = arith.addf %div3A_31, %add3A_33 : vector<1x200xf32>
    %rsqrt3A = math.rsqrt %add3A_34 : vector<1x200xf32>
    %mul3A_35 = vector.broadcast %rsqrt3A : vector<1x200xf32> to vector<10000x200xf32>
    %mul3A_36 = arith.mulf %sub3A_25, %mul3A_35 : vector<10000x200xf32>
    %get3A_37 = arith.constant 0 : index
    %get3A_38 = arith.constant 0 : index
    %get3A_39 = vector.load %arg4[%get3A_37, %get3A_38] : memref<1x200xf32, #tpu.memory_space<vmem>>, vector<1x200xf32>
    %mul3A_40 = vector.broadcast %get3A_39 : vector<1x200xf32> to vector<10000x200xf32>
    %mul3A_41 = arith.mulf %mul3A_36, %mul3A_40 : vector<10000x200xf32>
    %get3A_42 = arith.constant 0 : index
    %get3A_43 = arith.constant 0 : index
    %get3A_44 = vector.load %arg5[%get3A_42, %get3A_43] : memref<1x200xf32, #tpu.memory_space<vmem>>, vector<1x200xf32>
    %add3A_45 = vector.broadcast %get3A_44 : vector<1x200xf32> to vector<10000x200xf32>
    %add3A_46 = arith.addf %mul3A_41, %add3A_45 : vector<10000x200xf32>
    %max3A = arith.constant 0.000000e+00 : f32
    %max3A_47 = vector.broadcast %max3A : f32 to vector<10000x200xf32>
    %max3A_48 = arith.maximumf %add3A_46, %max3A_47 : vector<10000x200xf32>
    %get3A_49 = arith.constant 0 : index
    %get3A_50 = arith.constant 0 : index
    %get3A_51 = vector.load %arg6[%get3A_49, %get3A_50] : memref<200x128xf32, #tpu.memory_space<vmem>>, vector<200x128xf32>
    %dot_general3A_52 = arith.constant dense<0.000000e+00> : vector<10000x128xf32>
    %dot_general3A_53 = tpu.matmul %max3A_48, %get3A_51, %dot_general3A_52 {dimension_numbers = #tpu.dot_dimension_numbers<[1], [0], [0], [1], [0, 0, 1, 1], [], []>, transpose_lhs_hint = false} : vector<10000x200xf32>, vector<200x128xf32>, vector<10000x128xf32> -> vector<10000x128xf32>
    %get3A_54 = arith.constant 0 : index
    %get3A_55 = arith.constant 0 : index
    %get3A_56 = vector.load %arg7[%get3A_54, %get3A_55] : memref<1x128xf32, #tpu.memory_space<vmem>>, vector<1x128xf32>
    %add3A_57 = vector.broadcast %get3A_56 : vector<1x128xf32> to vector<10000x128xf32>
    %add3A_58 = arith.addf %dot_general3A_53, %add3A_57 : vector<10000x128xf32>
    %swap3A = arith.constant 0 : index
    %swap3A_59 = arith.constant 0 : index
    %swap3A_60 = vector.load %arg8[%swap3A, %swap3A_59] : memref<10000x128xf32, #tpu.memory_space<vmem>>, vector<10000x128xf32>
    tpu.vector_store %arg8[%swap3A, %swap3A_59], %add3A_58 {strides = array<i32>} : memref<10000x128xf32, #tpu.memory_space<vmem>>, vector<10000x128xf32>,
    return
  }
}

</mosaic_0001>

<sc_bundles>
// kernel: kernel.4.cloned.1.call-start
scs
__scs_entry_jumppad:
0x0: {  	(pc) =	sbr.rel $0x88, $3  }
0x1: {  	(tag) =	ssettag $0x0;
	lr =	simm.s32 $0x1  }
0x2: {  	[smem:$0x3F99] =	sst lr;
	_ =	strace $0xD0000000  }
0x3: {  	_ = 	snop  }
0x4: {  	_ = 	snop  }
0x5: {  	_ = 	snop  }
0x6: {  	_ = 	snop  }
0x7: {  	_ = 	snop  }
__scs_overlays_trampoline_lowered:
0x8: {  	[smem:$0x3FA8] =	sst s0  }
0x9: {  	[smem:$0x3FA9] =	sst s1  }
0xa: {  	[smem:$0x3FAA] =	sst s2  }
0xb: {  	[smem:$0x3FAB] =	sst s3  }
0xc: {  	[smem:$0x3FAC] =	sst s4  }
0xd: {  	[smem:$0x3FAD] =	sst s5  }
0xe: {  	[smem:$0x3FAE] =	sst s6  }
0xf: {  	[smem:$0x3FAF] =	sst s7  }
0x10: {  	[smem:$0x3FB0] =	sst s8  }
0x11: {  	[smem:$0x3FB1] =	sst s9;
	s0 =	simm.s32 @!p0 $0x0  }
0x12: {  	s1 =	sld [smem:$0x3F97];
	s0 =	simm.s32 @p0 $0x1  }
0x13: {  	[smem:$0x3FB2] =	sst s0;
	s0 =	simm.s32 @!p1 $0x0  }
0x14: {  	s2 =	sld [smem:$0x3F96];
	s0 =	simm.s32 @p1 $0x1  }
0x15: {  	[smem:$0x3FB3] =	sst s0;
	s0 =	simm.s32 @!p2 $0x0  }
0x16: {  	s3 =	sld [smem:$0x3FDB];
	s0 =	simm.s32 @p2 $0x1  }
0x17: {  	s4 =	simm.s32 $0x1BF5;
	[smem:$0x3FB5] =	sst s0  }
0x18: {  	s0 =	sld [smem:$0x3F98];
	_ =	swait.ge [sflag:s4], $0x0  }
0x19: {  	s7 =	sld [smem:$0x3F99]  }
0x1a: {  	s8 =	sadd.s32 $0xFFFFE003, lr  }
0x1b: {  	s9 =	sadd.s32 $0xFFFFFEF7, lr;
	s5 =	simm.s32 $0xFFFFFFFF;
	p2 =	slt.u32 s8, $0xFFFFF086  }
0x1c: {  	p1 =	slt.u32 s9, $0xF7A;
	s5 =	simm.s32 @!p2 $0x0  }
0x1d: {  	s5 =	simm.s32 @p1 $0x1;
	p0 =	seq.s32 s7, s2  }
0x1e: {  	s7 =	smul.u32 @!p0 $0xF7A, s2;
	p2 =	seq.s32 @!p0 s5, $0x0  }
0x1f: {  	s9 =	smul.u32 $0xF7A, s1;
	s8 =	simm.s32 @!p0 $0x1BF5;
	p2 =	por !p2, p0  }
0x20: {  	[sflag:s8] =	ssyncset.s32 @!p0 $0xFFFFF086;
	s6 =	sadd.s32 @!p0 s3, s7;
	s7 =	simm.s32 @!p0 $0x108  }
0x21: {  	s3 =	sadd.s32 s3, s9;
	s6 =	sadd.s32 @!p0 $0x88, s6;
	s7 =	simm.s32 @p2 $0x1082  }
0x22: {  	[simem:s7], [sflag:s8] =	dma.local @!p0 [hbm:s6], $0xF7A  }
0x23: {  	s9 =	sor.u32 $0xD0000000, s2;
	s6 =	simm.s32 $0x108;
	_ =	swait.ge @!p0 [sflag:s8], $0x0  }
0x24: {  	s3 =	sadd.s32 $0x88, s3;
	s6 =	simm.s32 @!p1 $0x1082;
	[sflag:s4] =	ssyncset.s32 $0xFFFFF086  }
0x25: {  	[simem:s6], [sflag:s4] =	dma.local [hbm:s3], $0xF7A  }
0x26: {  	[smem:$0x3F99] =	sst s1;
	(tag) =	ssettag s2;
	_ =	strace s9  }
0x27: {  	s1 =	sld [smem:$0x3FA9]  }
0x28: {  	s2 =	sld [smem:$0x3FAA]  }
0x29: {  	s4 =	sld [smem:$0x3FAC]  }
0x2a: {  	p0 =	seq.s32 s5, $0x0;
	s5 =	sld [smem:$0x3FAD]  }
0x2b: {  	s6 =	sld [smem:$0x3FAE]  }
0x2c: {  	s7 =	sld [smem:$0x3FAF]  }
0x2d: {  	s3 =	simm.s32 $0x108;
	s8 =	sld [smem:$0x3FB0]  }
0x2e: {  	s3 =	simm.s32 @!p0 $0x1082;
	s9 =	sld [smem:$0x3FB1]  }
0x2f: {  	lr =	sadd.s32 s0, s3;
	s0 =	sld [smem:$0x3FA8]  }
0x30: {  	s3 =	sld [smem:$0x3FAB]  }
0x31: {  	[smem:$0x3FB4] =	sst s10  }
0x32: {  	s10 =	sld [smem:$0x3FB2];
	_ =	sdelay $0x3  }
0x33: {  	p0 =	seq.s32 s10, $0x1;
	s10 =	sld [smem:$0x3FB4];
	_ =	sdelay $0x3  }
0x34: {  	[smem:$0x3FB4] =	sst s10  }
0x35: {  	s10 =	sld [smem:$0x3FB3];
	_ =	sdelay $0x3  }
0x36: {  	p1 =	seq.s32 s10, $0x1;
	s10 =	sld [smem:$0x3FB4];
	_ =	sdelay $0x3  }
0x37: {  	[smem:$0x3FB4] =	sst s10  }
0x38: {  	s10 =	sld [smem:$0x3FB5]  }
0x39: {  	_ = 	snop;
	(pc) =	sbr.ind lr, $3  }
0x3a: {  	_ = 	snop  }
0x3b: {  	_ = 	snop  }
0x3c: {  	p2 =	seq.s32 s10, $0x1;
	s10 =	sld [smem:$0x3FB4]  }
0x3d: {  	_ =	shalt  }
0x3e: {  	_ =	shalt  }
0x3f: {  	_ =	shalt  }
0x40: {  	_ =	shalt  }
0x41: {  	_ =	shalt  }
0x42: {  	_ =	shalt  }
0x43: {  	_ =	shalt  }
0x44: {  	_ =	shalt  }
0x45: {  	_ =	shalt  }
0x46: {  	_ =	shalt  }
0x47: {  	_ =	shalt  }
0x48: {  	_ =	shalt  }
0x49: {  	_ =	shalt  }
0x4a: {  	_ =	shalt  }
0x4b: {  	_ =	shalt  }
0x4c: {  	_ =	shalt  }
0x4d: {  	_ =	shalt  }
0x4e: {  	_ =	shalt  }
0x4f: {  	_ =	shalt  }
0x50: {  	_ =	shalt  }
0x51: {  	_ =	shalt  }
0x52: {  	_ =	shalt  }
0x53: {  	_ =	shalt  }
0x54: {  	_ =	shalt  }
0x55: {  	_ =	shalt  }
0x56: {  	_ =	shalt  }
0x57: {  	_ =	shalt  }
0x58: {  	_ =	shalt  }
0x59: {  	_ =	shalt  }
0x5a: {  	_ =	shalt  }
0x5b: {  	_ =	shalt  }
0x5c: {  	_ =	shalt  }
0x5d: {  	_ =	shalt  }
0x5e: {  	_ =	shalt  }
0x5f: {  	_ =	shalt  }
0x60: {  	_ =	shalt  }
0x61: {  	_ =	shalt  }
0x62: {  	_ =	shalt  }
0x63: {  	_ =	shalt  }
0x64: {  	_ =	shalt  }
0x65: {  	_ =	shalt  }
0x66: {  	_ =	shalt  }
0x67: {  	_ =	shalt  }
0x68: {  	_ =	shalt  }
0x69: {  	_ =	shalt  }
0x6a: {  	_ =	shalt  }
0x6b: {  	_ =	shalt  }
0x6c: {  	_ =	shalt  }
0x6d: {  	_ =	shalt  }
0x6e: {  	_ =	shalt  }
0x6f: {  	_ =	shalt  }
0x70: {  	_ =	shalt  }
0x71: {  	_ =	shalt  }
0x72: {  	_ =	shalt  }
0x73: {  	_ =	shalt  }
0x74: {  	_ =	shalt  }
0x75: {  	_ =	shalt  }
0x76: {  	_ =	shalt  }
0x77: {  	_ =	shalt  }
0x78: {  	_ =	shalt  }
0x79: {  	_ =	shalt  }
0x7a: {  	_ =	shalt  }
0x7b: {  	_ =	shalt  }
0x7c: {  	_ =	shalt  }
0x7d: {  	_ =	shalt  }
0x7e: {  	_ =	shalt  }
0x7f: {  	_ =	shalt  }
0x80: {  	_ =	shalt  }
0x81: {  	_ =	shalt  }
0x82: {  	_ =	shalt  }
0x83: {  	_ =	shalt  }
0x84: {  	_ =	shalt  }
0x85: {  	_ =	shalt  }
0x86: {  	_ =	shalt  }
0x87: {  	_ =	shalt  }
.Lfunc_end0:
.L_simem_size_0:
called_computation_lowered:
.L_overlay_start_0:
0x88: {  	s2 =	sld [smem:$0x3FD9]  }
0x89: {  	s3 =	sld [smem:$0x3FFE];
	_ =	sdelay $0x1  }
0x8a: {  	s1 =	srdreg.scid  }
0x8b: {  	s0 =	sand.u32 $0x1, s1  }
0x8c: {  	s17 =	sshll.u32 s0, $0xA;
	s2 =	sadd.s32 s3, s2  }
0x8d: {  	s2 =	sadd.s32 s2, s17  }
0x8e: {  	[smem:$0x3FC0] =	sst s2  }
0x8f: {  	_ = 	snop  }
0x90: {  	s2 =	sld [smem:$0x3FC9]  }
0x91: {  	s18 =	sld [smem:$0x3FD0];
	(tm) =	ssettm $0x1  }
0x92: {  	s4 =	sld [smem:$0x3FFB];
	_ =	sdelay $0x3  }
0x93: {  	_ =	strace s4  }
0x94: {  	s4 =	sld [smem:$0x3FFC];
	_ =	sdelay $0x3  }
0x95: {  	_ =	strace s4  }
0x96: {  	s4 =	sld [smem:$0x3FFD];
	_ =	sdelay $0x3  }
0x97: {  	_ =	strace s4  }
0x98: {  	_ =	strace $0x8FFFFFFF  }
0x99: {  	s19 =	sld [smem:$0x3FDB];
	_ =	sdelay $0x1  }
0x9a: {  	s5 =	simm.s32 $_scs_section_size  }
0x9b: {  	s6 =	simm.s32 $_size__tile_overlayer_lowered;
	s7 =	simm.s32 $_tile_overlayer_lowered  }
0x9c: {  	s22 =	simm.s32 $0x1BFF;
	s21 =	sshll.u32 s7, $0x1;
	s4 =	sadd.s32 s5, s19  }
0x9d: {  	s8 =	simm.s32 $0x0;
	s20 =	sshll.u32 s6, $0x1;
	s6 =	sadd.s32 s21, s4  }
0x9e: {  	[timem:s8], [sflag:s22] =	dma.local [hbm:s6], s20  }
0x9f: {  	_ =	swait.ge [sflag:s22], s20  }
0xa0: {  	s5 =	ssub.s32 $0x0, s20;
	[sflag:s22] =	ssyncset.done $0x0  }
0xa1: {  	[sflag:s22] =	ssyncadd.s32 s5;
	_ =	sdelay $0x1  }
0xa2: {  	s23 =	simm.s32 $0x1B8B  }
0xa3: {  	_ =	swait.ge [sflag:s23], $0x1  }
0xa4: {  	[sflag:s23] =	ssyncset.done $0x0  }
0xa5: {  	s25 =	simm.s32 $0x1B8E;
	s24 =	sld [smem:$0x3FFE];
	[sflag:s23] =	ssyncadd.s32 $0xFFFFFFFF  }
0xa6: {  	s26 =	simm.s32 $execute0_lowered;
	[smem:$0x3FD2] =	sst s25  }
0xa7: {  	s6 =	sshll.u32 s26, $0x1;
	_ =	strace $0x80000046;
	[dreg:$0x1] =	wrdreg $0xFFFFFFFF  }
0xa8: {  	s28 =	simm.s32 $_size_execute0_lowered;
	s4 =	sadd.s32 s4, s6;
	[dreg:$0x0] =	wrdreg $0x0  }
0xa9: {  	s6 =	sshll.u32 s28, $0x1;
	[dreg:$0x2] =	wrdreg s4  }
0xaa: {  	[dreg:$0x3] =	wrdreg s6  }
0xab: {  	[dreg:$0x4] =	wrdreg $0xC0  }
0xac: {  	_ =	task [dreg:s8], $0x5FFFF  }
0xad: {  	[dreg:$0x1] =	wrdreg $0xFFFFFFFF  }
0xae: {  	[dreg:$0x0] =	wrdreg $0x60  }
0xaf: {  	[dreg:$0x2] =	wrdreg s2  }
0xb0: {  	[dreg:$0x3] =	wrdreg s18  }
0xb1: {  	[dreg:$0x4] =	wrdreg s24  }
0xb2: {  	[dreg:$0x5] =	wrdreg $0x0  }
0xb3: {  	[dreg:$0x6] =	wrdreg $0x9  }
0xb4: {  	_ =	task.clear_ibuf [dreg:s8], $0x7FFFF;
	_ =	strace $0x90000046  }
0xb5: {  	s29 =	simm.s32 $0x9;
	_ =	strace $0x80000048  }
0xb6: {  	_ =	swait.ge [sflag:s29], $0x1  }
0xb7: {  	[sflag:s29] =	ssyncadd.s32 $0xFFFFFFFF  }
0xb8: {  	_ =	strace $0x90000048  }
0xb9: {  	_ =	sfence  }
0xba: {  	s30 =	sld [smem:$0x0];
	_ =	sdelay $0x2  }
0xbb: {  	s31 =	sshll.u32 s1, $0xD;
	s1 =	sshrl.u32 s1, $0x2  }
0xbc: {  	s3 =	sand.u32 $0x4000, s31;
	s1 =	sadd.s32 s1, s30  }
0xbd: {  	s0 =	sor.u32 s3, s0;
	s1 =	sshll.u32 s1, $0x11  }
0xbe: {  	s0 =	sor.u32 s1, s0  }
0xbf: {  	s0 =	sadd.s32 $0x8F2B, s0  }
0xc0: {  	[sflag:s0] =	ssyncadd.remote.s32 $0x1  }
0xc1: {  	_ =	sfence.sel $0xFFFF  }
0xc2: {  	[dreg:$0x0] =	wrdreg $0xFFFFFFFF;
	(pc) =	sbr.abs _section_cstart, $3  }
0xc3: {  	[dreg:$0x1] =	wrdreg $0xFFFFFFFF  }
0xc4: {  	_ =	task.clear_ibuf [dreg:s8], $0x2FFFF;
	_ =	strace $0x9FFFFFFF  }
0xc5: {  	(tm) =	ssettm $0x7FFFFFFF  }
tec
execute0_lowered:
.L_overlay_start_1:
0x0: {  	(tag) =	ssettag $0x1  }
0x1: {  	s1 =	rddreg [dreg:$0x0]  }
0x2: {  	s0 =	rddreg [dreg:$0x1]  }
0x3: {  	s3 =	rddreg [dreg:$0x2]  }
0x4: {  	s2 =	rddreg [dreg:$0x3];
	s21 =	simm.s32 $0x0;
	s5 =	srdreg.scid  }
0x5: {  	s14 =	stileid.u32;
	s30 =	simm.s32 $0x14200;
	s31 =	simm.s32 $0x13E80  }
0x6: {  	s28 =	simm.s32 $0x14;
	s29 =	simm.s32 $0xA;
	s5 =	sand.u32 $0x1, s5  }
0x7: {  	[smem:$0x7FF] =	sst s21;
	s8 =	sshll.u32 s14, $0x4;
	s7 =	sshll.u32 s5, $0x8  }
0x8: {  	s9 =	sadd.s32 $0x1400, s3;
	s6 =	ssub.s32 $0x2, s5;
	s11 =	sor.u32 s8, s7  }
0x9: {  	_ =	strace $0x80000047;
	s10 =	sshrl.u32 s6, $0x1;
	s20 =	sadd.s32 s0, s11  }
0xa: {  	s22 =	sadd.s32 s9, s11;
	s23 =	sor.u32 $0x200, s11;
	[dreg:$0x5] =	wrdreg s20  }
0xb: {  	s6 =	ssub.s32 s6, s10;
	[dreg:$0x6] =	wrdreg s22;
	s13 =	sadd.s32 s0, s23  }
0xc: {  	s12 =	sor.u32 $0x400, s11;
	s10 =	sadd.s32 s9, s23;
	[dreg:$0x7] =	wrdreg s13  }
0xd: {  	s3 =	sadd.s32 $0xB400, s3;
	s24 =	sadd.s32 s0, s12;
	[dreg:$0x8] =	wrdreg s10  }
0xe: {  	s26 =	sor.u32 $0x600, s11;
	s25 =	sadd.s32 s9, s12;
	[dreg:$0x9] =	wrdreg s24  }
0xf: {  	s17 =	sor.u32 $0x800, s11;
	s16 =	sadd.s32 s0, s26;
	[dreg:$0xa] =	wrdreg s25  }
0x10: {  	s11 =	sor.u32 $0xA00, s11;
	s15 =	sadd.s32 s0, s17;
	[dreg:$0xb] =	wrdreg s16  }
0x11: {  	s4 =	smul.u32 $0x4E000, s14;
	s19 =	sadd.s32 s0, s11;
	[dreg:$0xd] =	wrdreg s15  }
0x12: {  	s18 =	smul.u32 $0x13800, s14;
	s20 =	sadd.s32 s9, s11;
	[dreg:$0xf] =	wrdreg s19  }
0x13: {  	p0 =	sne.s32 s14, $0xF;
	s11 =	smax.u32 s6, $0x1;
	[dreg:$0x10] =	wrdreg s20  }
0x14: {  	s22 =	sshrl.u32 s4, $0x2;
	s10 =	sadd.s32 s9, s26;
	[dreg:$0x17] =	wrdreg s11  }
0x15: {  	s5 =	smul.u32 $0x13C800, s5;
	s12 =	sadd.s32 s22, s2;
	[dreg:$0xc] =	wrdreg s10  }
0x16: {  	p1 =	seq.s32 s14, $0xF;
	s10 =	sadd.s32 s9, s17;
	[dreg:$0x11] =	wrdreg s12  }
0x17: {  	s23 =	sadd.s32 s18, s5;
	s25 =	sadd.s32 $0x1800, s12;
	[dreg:$0xe] =	wrdreg s10  }
0x18: {  	s5 =	sshrl.u32 s5, $0x3;
	s4 =	sadd.s32 $0x3000, s12;
	[dreg:$0x13] =	wrdreg s25  }
0x19: {  	s26 =	sadd.s32 s7, s9;
	s9 =	sadd.s32 $0x4800, s12;
	[dreg:$0x14] =	wrdreg s4  }
0x1a: {  	s0 =	sadd.s32 s7, s0;
	s13 =	sadd.s32 $0x6000, s12;
	[dreg:$0x15] =	wrdreg s9  }
0x1b: {  	s24 =	sshrl.u32 s23, $0x3;
	s14 =	sadd.s32 $0x7800, s12;
	[dreg:$0x18] =	wrdreg s13  }
0x1c: {  	s22 =	sadd.s32 s8, s0;
	s15 =	sadd.s32 $0x9000, s12;
	[dreg:$0x19] =	wrdreg s14  }
0x1d: {  	s11 =	simm.s32 $0x14180;
	s16 =	sadd.s32 $0xA800, s12;
	[dreg:$0x1a] =	wrdreg s15  }
0x1e: {  	s7 =	simm.s32 $0x14280;
	s17 =	sadd.s32 $0xC000, s12;
	[dreg:$0x1b] =	wrdreg s16  }
0x1f: {  	s0 =	simm.s32 $0x80;
	s18 =	sadd.s32 $0xD800, s12;
	[dreg:$0x1c] =	wrdreg s17  }
0x20: {  	s19 =	sadd.s32 $0xF000, s12;
	s20 =	sadd.s32 $0x10800, s12;
	[dreg:$0x1d] =	wrdreg s18  }
0x21: {  	s23 =	sadd.s32 $0x12000, s12;
	s10 =	sadd.s32 s3, s24;
	[dreg:$0x1e] =	wrdreg s19  }
0x22: {  	s3 =	sadd.s32 s3, s5;
	s4 =	sadd.s32 s8, s26;
	[dreg:$0x1f] =	wrdreg s20  }
0x23: {  	[smem:$0x7FA] =	sst s23;
	s24 =	sadd.s32 $0x138000, s2;
	s25 =	sadd.s32 $0x139800, s2  }
0x24: {  	s26 =	sadd.s32 $0x13B000, s2;
	s13 =	simm.s32 $0x13C80;
	s14 =	simm.s32 $0x14080  }
0x25: {  	s15 =	simm.s32 $0x13D00;
	s16 =	simm.s32 $0x14100;
	s19 =	simm.s32 $0x13D80  }
0x26: {  	s18 =	simm.s32 $0x13E00;
	s8 =	simm.s32 $0x13F00;
	[dreg:$0x12] =	wrdreg s10  }
0x27: {  	s9 =	simm.s32 $0x14300;
	s5 =	simm.s32 $0x11;
	[smem:$0x7FB] =	sst s24  }
0x28: {  	s17 =	simm.s32 $0x18480;
	s20 =	simm.s32 $0x0;
	[smem:$0x7FC] =	sst s25  }
0x29: {  	s23 =	simm.s32 $0x9;
	s10 =	sadd.s32 $0x24900, s3;
	[smem:$0x7FD] =	sst s26  }
0x2a: {  	s26 =	simm.s32 $0x13;
	s3 =	simm.s32 $0x14480;
	s25 =	simm.s32 $0x12  }
0x2b: {  	v0 =	vimm.f32 $0.0e+00;
	s24 =	simm.s32 $0x2;
	[dreg:$0x16] =	wrdreg s10;
	s10 =	simm.s32 $0x14400  }
.LBB2_1:
0x2c: {  	[smem:$0x7F9] =	sst s20  }
0x2d: {  	s6 =	rddreg [dreg:$0x5]  }
0x2e: {  	[tilespmem:s13], [sflag:$0x1] =	stream.linear.gather [hbm4b:s6+s21], $0x80, $0x38;
	[tilespmem:$0x1DC80] =	vst v63  }
0x2f: {  	s20 =	rddreg [dreg:$0x6]  }
0x30: {  	[tilespmem:s14], [sflag:$0x9] =	stream.linear.gather [hbm4b:s20+s21], $0x80, $0x38;
	[tilespmem:$0x1DC80] =	vst v63  }
0x31: {  	s20 =	rddreg [dreg:$0x7]  }
0x32: {  	[tilespmem:s15], [sflag:$0x2] =	stream.linear.gather [hbm4b:s20+s21], $0x80, $0x38;
	[tilespmem:$0x1DC80] =	vst v63  }
0x33: {  	s20 =	rddreg [dreg:$0x8]  }
0x34: {  	[tilespmem:s16], [sflag:$0xA] =	stream.linear.gather [hbm4b:s20+s21], $0x80, $0x38;
	[tilespmem:$0x1DC80] =	vst v63  }
0x35: {  	s20 =	rddreg [dreg:$0x9]  }
0x36: {  	[tilespmem:s19], [sflag:$0x3] =	stream.linear.gather [hbm4b:s20+s21], $0x80, $0x38;
	[tilespmem:$0x1DC80] =	vst v63  }
0x37: {  	s20 =	rddreg [dreg:$0xa]  }
0x38: {  	[tilespmem:s11], [sflag:$0xB] =	stream.linear.gather [hbm4b:s20+s21], $0x80, $0x38;
	[tilespmem:$0x1DC80] =	vst v63  }
0x39: {  	s20 =	rddreg [dreg:$0xb]  }
0x3a: {  	[tilespmem:s18], [sflag:$0x4] =	stream.linear.gather [hbm4b:s20+s21], $0x80, $0x38;
	[tilespmem:$0x1DC80] =	vst v63  }
0x3b: {  	s20 =	rddreg [dreg:$0xc]  }
0x3c: {  	[tilespmem:s30], [sflag:$0xC] =	stream.linear.gather [hbm4b:s20+s21], $0x80, $0x38;
	[tilespmem:$0x1DC80] =	vst v63  }
0x3d: {  	s20 =	rddreg [dreg:$0xd]  }
0x3e: {  	[tilespmem:s31], [sflag:$0x5] =	stream.linear.gather [hbm4b:s20+s21], $0x80, $0x38;
	[tilespmem:$0x1DC80] =	vst v63  }
0x3f: {  	s20 =	rddreg [dreg:$0xe]  }
0x40: {  	[tilespmem:s7], [sflag:$0xD] =	stream.linear.gather [hbm4b:s20+s21], $0x80, $0x38;
	[tilespmem:$0x1DC80] =	vst v63  }
0x41: {  	s7 =	rddreg [dreg:$0xf]  }
0x42: {  	[tilespmem:s8], [sflag:$0x6] =	stream.linear.gather [hbm4b:s7+s21], $0x80, $0x38;
	[tilespmem:$0x1DC80] =	vst v63  }
0x43: {  	s6 =	simm.s32 $0x0;
	s20 =	rddreg [dreg:$0x10];
	s7 =	simm.s32 $0x200  }
0x44: {  	[tilespmem:s9], [sflag:$0xE] =	stream.linear.gather [hbm4b:s20+s21], $0x80, $0x38;
	[tilespmem:$0x1DC80] =	vst v63  }
.LBB2_2:
0x45: {  	p2 =	sne.s32 s7, $0x5E00;
	[tilespmem:s6+$0x1C4F0] =	vst v0  }
0x46: {  	[tilespmem:s6+$0x1C480] =	vst v0  }
0x47: {  	[tilespmem:s6+$0x1C490] =	vst v0  }
.Ltmp0:
0x48: {  	[tilespmem:s6+$0x1C4A0] =	vst v0;
	(pc) =	sbr.rel @p2 .LBB2_2-.Ltmp0, $4  }
0x49: {  	[tilespmem:s6+$0x1C4B0] =	vst v0  }
0x4a: {  	[tilespmem:s6+$0x1C4C0] =	vst v0  }
0x4b: {  	[tilespmem:s6+$0x1C4D0] =	vst v0  }
0x4c: {  	[tilespmem:s6+$0x1C4E0] =	vst v0;
	s6 =	sshra.s32 s7, $0x2;
	s7 =	sadd.s32 $0x200, s7  }
0x4d: {  	[tilespmem:s6+$0x1C4F0] =	vst v0  }
0x4e: {  	[tilespmem:s6+$0x1C480] =	vst v0  }
0x4f: {  	[tilespmem:s6+$0x1C490] =	vst v0  }
0x50: {  	[tilespmem:s6+$0x1C4A0] =	vst v0  }
0x51: {  	[tilespmem:s6+$0x1C4B0] =	vst v0  }
0x52: {  	[tilespmem:s6+$0x1C4C0] =	vst v0  }
0x53: {  	[tilespmem:s6+$0x1C4D0] =	vst v0  }
0x54: {  	[tilespmem:s6+$0x1C4E0] =	vst v0;
	s7 =	simm.s32 $0x1C480;
	s9 =	rddreg [dreg:$0x13]  }
0x55: {  	[spmem:s12] =	stream.linear.scatter [tilespmem:s7], [sflag:$0x13], $0x1800, $0x38;
	[tilespmem:$0x1DC80] =	vst v63  }
0x56: {  	s20 =	rddreg [dreg:$0x15]  }
0x57: {  	[spmem:s9] =	stream.linear.scatter [tilespmem:s7], [sflag:$0x14], $0x1800, $0x38;
	[tilespmem:$0x1DC80] =	vst v63  }
0x58: {  	s12 =	rddreg [dreg:$0x14]  }
0x59: {  	[spmem:s12] =	stream.linear.scatter [tilespmem:s7], [sflag:$0x13], $0x1800, $0x38;
	[tilespmem:$0x1DC80] =	vst v63  }
0x5a: {  	s8 =	rddreg [dreg:$0x18]  }
0x5b: {  	[spmem:s20] =	stream.linear.scatter [tilespmem:s7], [sflag:$0x14], $0x1800, $0x38;
	[tilespmem:$0x1DC80] =	vst v63  }
0x5c: {  	s9 =	rddreg [dreg:$0x19]  }
0x5d: {  	[spmem:s8] =	stream.linear.scatter [tilespmem:s7], [sflag:$0x13], $0x1800, $0x38;
	[tilespmem:$0x1DC80] =	vst v63  }
0x5e: {  	s12 =	rddreg [dreg:$0x1a]  }
0x5f: {  	[spmem:s9] =	stream.linear.scatter [tilespmem:s7], [sflag:$0x14], $0x1800, $0x38;
	[tilespmem:$0x1DC80] =	vst v63  }
0x60: {  	s20 =	rddreg [dreg:$0x1b]  }
0x61: {  	[spmem:s12] =	stream.linear.scatter [tilespmem:s7], [sflag:$0x13], $0x1800, $0x38;
	[tilespmem:$0x1DC80] =	vst v63  }
0x62: {  	s8 =	rddreg [dreg:$0x1c]  }
0x63: {  	[spmem:s20] =	stream.linear.scatter [tilespmem:s7], [sflag:$0x14], $0x1800, $0x38;
	[tilespmem:$0x1DC80] =	vst v63  }
0x64: {  	s9 =	rddreg [dreg:$0x1d]  }
0x65: {  	[spmem:s8] =	stream.linear.scatter [tilespmem:s7], [sflag:$0x13], $0x1800, $0x38;
	[tilespmem:$0x1DC80] =	vst v63  }
0x66: {  	s12 =	rddreg [dreg:$0x1e]  }
0x67: {  	[spmem:s9] =	stream.linear.scatter [tilespmem:s7], [sflag:$0x14], $0x1800, $0x38;
	[tilespmem:$0x1DC80] =	vst v63  }
0x68: {  	s20 =	rddreg [dreg:$0x1f]  }
0x69: {  	[spmem:s12] =	stream.linear.scatter [tilespmem:s7], [sflag:$0x13], $0x1800, $0x38;
	[tilespmem:$0x1DC80] =	vst v63  }
0x6a: {  	s8 =	sld [smem:$0x7FA]  }
0x6b: {  	[spmem:s20] =	stream.linear.scatter [tilespmem:s7], [sflag:$0x14], $0x1800, $0x38;
	[tilespmem:$0x1DC80] =	vst v63  }
0x6c: {  	_ = 	snop  }
0x6d: {  	[spmem:s8] =	stream.linear.scatter [tilespmem:s7], [sflag:$0x13], $0x1800, $0x38;
	[tilespmem:$0x1DC80] =	vst v63  }
0x6e: {  	s7 =	sld [smem:$0x7FB];
	_ =	sdelay $0x1  }
0x6f: {  	s6 =	simm.s32 @!p0 $0x1C480  }
0x70: {  	[spmem:s7] =	stream.linear.scatter @!p0 [tilespmem:s6], [sflag:$0x14], $0x1800, $0x38;
	[tilespmem:$0x1DC80] =	vst v63  }
0x71: {  	s7 =	sld [smem:$0x7FC];
	_ =	sdelay $0x2  }
0x72: {  	[spmem:s7] =	stream.linear.scatter @!p0 [tilespmem:s6], [sflag:$0x13], $0x1800, $0x38;
	[tilespmem:$0x1DC80] =	vst v63  }
0x73: {  	s7 =	sld [smem:$0x7FD];
	_ =	sdelay $0x2  }
0x74: {  	[spmem:s7] =	stream.linear.scatter @!p0 [tilespmem:s6], [sflag:$0x14], $0x1800, $0x38;
	[tilespmem:$0x1DC80] =	vst v63  }
0x75: {  	_ =	swait.ge [sflag:s26], $0x1800  }
0x76: {  	[sflag:s26] =	ssyncset.done $0x0  }
0x77: {  	[sflag:s26] =	ssyncadd.s32 $0xFFFFE800  }
0x78: {  	_ =	swait.ge [sflag:s28], $0x1800  }
0x79: {  	[sflag:s28] =	ssyncset.done $0x0  }
0x7a: {  	[sflag:s28] =	ssyncadd.s32 $0xFFFFE800  }
0x7b: {  	_ =	swait.ge [sflag:s26], $0x1800  }
0x7c: {  	[sflag:s26] =	ssyncset.done $0x0  }
0x7d: {  	[sflag:s26] =	ssyncadd.s32 $0xFFFFE800  }
0x7e: {  	_ =	swait.ge [sflag:s28], $0x1800  }
0x7f: {  	[sflag:s28] =	ssyncset.done $0x0  }
0x80: {  	[sflag:s28] =	ssyncadd.s32 $0xFFFFE800  }
0x81: {  	_ =	swait.ge [sflag:s26], $0x1800  }
0x82: {  	[sflag:s26] =	ssyncset.done $0x0  }
0x83: {  	[sflag:s26] =	ssyncadd.s32 $0xFFFFE800  }
0x84: {  	_ =	swait.ge [sflag:s28], $0x1800  }
0x85: {  	[sflag:s28] =	ssyncset.done $0x0  }
0x86: {  	[sflag:s28] =	ssyncadd.s32 $0xFFFFE800  }
0x87: {  	_ =	swait.ge [sflag:s26], $0x1800  }
0x88: {  	[sflag:s26] =	ssyncset.done $0x0  }
0x89: {  	[sflag:s26] =	ssyncadd.s32 $0xFFFFE800  }
0x8a: {  	_ =	swait.ge [sflag:s28], $0x1800  }
0x8b: {  	[sflag:s28] =	ssyncset.done $0x0  }
0x8c: {  	[sflag:s28] =	ssyncadd.s32 $0xFFFFE800  }
0x8d: {  	_ =	swait.ge [sflag:s26], $0x1800  }
0x8e: {  	[sflag:s26] =	ssyncset.done $0x0  }
0x8f: {  	[sflag:s26] =	ssyncadd.s32 $0xFFFFE800  }
0x90: {  	_ =	swait.ge [sflag:s28], $0x1800  }
0x91: {  	[sflag:s28] =	ssyncset.done $0x0  }
0x92: {  	[sflag:s28] =	ssyncadd.s32 $0xFFFFE800  }
0x93: {  	_ =	swait.ge [sflag:s26], $0x1800  }
0x94: {  	[sflag:s26] =	ssyncset.done $0x0  }
0x95: {  	[sflag:s26] =	ssyncadd.s32 $0xFFFFE800  }
0x96: {  	_ =	swait.ge [sflag:s28], $0x1800  }
0x97: {  	[sflag:s28] =	ssyncset.done $0x0  }
0x98: {  	[sflag:s28] =	ssyncadd.s32 $0xFFFFE800  }
0x99: {  	_ =	swait.ge [sflag:s26], $0x1800  }
0x9a: {  	[sflag:s26] =	ssyncset.done $0x0  }
0x9b: {  	s6 =	simm.s32 @!p0 $0x14;
	[sflag:s26] =	ssyncadd.s32 $0xFFFFE800  }
0x9c: {  	_ =	swait.ge @!p0 [sflag:s6], $0x1800  }
0x9d: {  	[sflag:s6] =	ssyncset.done @!p0 $0x0  }
0x9e: {  	s7 =	simm.s32 @!p0 $0x13;
	[sflag:s6] =	ssyncadd.s32 @!p0 $0xFFFFE800  }
0x9f: {  	_ =	swait.ge @!p0 [sflag:s7], $0x1800  }
0xa0: {  	[sflag:s7] =	ssyncset.done @!p0 $0x0  }
0xa1: {  	[sflag:s7] =	ssyncadd.s32 @!p0 $0xFFFFE800  }
0xa2: {  	_ =	swait.ge @!p0 [sflag:s6], $0x1800  }
0xa3: {  	p2 =	por $0x1, $0x1;
	[sflag:s6] =	ssyncset.done @!p0 $0x0  }
0xa4: {  	p2 =	por p2, p2;
	[sflag:s6] =	ssyncadd.s32 @!p0 $0xFFFFE800  }
0xa5: {  	s6 =	simm.s32 @!p2 $0x13;
	[bflag:$0x0] =	sbarrier.arrive $0xFFFF  }
0xa6: {  	_ =	swait.ge @!p2 [sflag:s6], $0x4000  }
0xa7: {  	s12 =	simm.s32 $0x13F80;
	s7 =	sadd.s32 $0x0, s22;
	[sflag:s6] =	ssyncset.done @!p2 $0x0  }
0xa8: {  	s8 =	sadd.s32 $0x0, s4;
	s9 =	sadd.s32 $0xC00, s7;
	[sflag:s6] =	ssyncadd.s32 @!p2 $0xFFFFC000  }
0xa9: {  	[tilespmem:s12], [sflag:$0x7] =	stream.linear.gather [hbm4b:s9+s21], $0x80, $0x38;
	[tilespmem:$0x1DC80] =	vst v63  }
0xaa: {  	s20 =	sadd.s32 $0xC00, s8;
	s9 =	simm.s32 $0x14380  }
0xab: {  	[tilespmem:s9], [sflag:$0xF] =	stream.linear.gather [hbm4b:s20+s21], $0x80, $0x38;
	[tilespmem:$0x1DC80] =	vst v63  }
0xac: {  	s20 =	simm.s32 $0x1  }
0xad: {  	_ =	swait.ge [sflag:s20], $0x80  }
0xae: {  	[sflag:s20] =	ssyncset.done $0x0  }
0xaf: {  	[sflag:s20] =	ssyncadd.s32 $0xFFFFFF80  }
0xb0: {  	[tilespmem:s3], [sflag:$0x11] =	stream.indirect.gather [hbm4b:s1+s0], $0x80, s13, s0, $0xb8;
	[tilespmem:$0x1DC80] =	vst v63  }
0xb1: {  	_ =	swait.ge [sflag:s5], $0x4000  }
0xb2: {  	[sflag:s5] =	ssyncset.done $0x0  }
0xb3: {  	[sflag:s5] =	ssyncadd.s32 $0xFFFFC000  }
0xb4: {  	_ =	swait.ge [sflag:s23], $0x80  }
0xb5: {  	[sflag:s23] =	ssyncset.done $0x0  }
0xb6: {  	s6 =	simm.s32 @!p2 $0x14;
	[sflag:s23] =	ssyncadd.s32 $0xFFFFFF80  }
0xb7: {  	[spmem:s2] =	stream.indirect.scatter.add.f32 [tilespmem:s3], [sflag:$0x13], $0x80, s14, s0, $0xb8;
	[tilespmem:$0x1DC80] =	vst v63  }
0xb8: {  	_ =	swait.ge @!p2 [sflag:s6], $0x4000  }
0xb9: {  	[sflag:s6] =	ssyncset.done @!p2 $0x0  }
0xba: {  	s7 =	sadd.s32 $0xE00, s7;
	s9 =	simm.s32 $0x14000;
	[sflag:s6] =	ssyncadd.s32 @!p2 $0xFFFFC000  }
0xbb: {  	[tilespmem:s9], [sflag:$0x8] =	stream.linear.gather [hbm4b:s7+s21], $0x80, $0x38;
	[tilespmem:$0x1DC80] =	vst v63  }
0xbc: {  	s9 =	sadd.s32 $0xE00, s8  }
0xbd: {  	[tilespmem:s10], [sflag:$0x10] =	stream.linear.gather [hbm4b:s9+s21], $0x80, $0x38;
	[tilespmem:$0x1DC80] =	vst v63  }
0xbe: {  	_ =	swait.ge [sflag:s24], $0x80  }
0xbf: {  	[sflag:s24] =	ssyncset.done $0x0  }
0xc0: {  	[sflag:s24] =	ssyncadd.s32 $0xFFFFFF80  }
0xc1: {  	[tilespmem:s17], [sflag:$0x12] =	stream.indirect.gather [hbm4b:s1+s0], $0x80, s15, s0, $0xb8;
	[tilespmem:$0x1DC80] =	vst v63  }
0xc2: {  	_ =	swait.ge [sflag:s25], $0x4000  }
0xc3: {  	[sflag:s25] =	ssyncset.done $0x0  }
0xc4: {  	[sflag:s25] =	ssyncadd.s32 $0xFFFFC000  }
0xc5: {  	_ =	swait.ge [sflag:s29], $0x80  }
0xc6: {  	[sflag:s29] =	ssyncset.done $0x0  }
0xc7: {  	[sflag:s29] =	ssyncadd.s32 $0xFFFFFF80  }
0xc8: {  	[spmem:s2] =	stream.indirect.scatter.add.f32 [tilespmem:s17], [sflag:$0x14], $0x80, s16, s0, $0xb8;
	[tilespmem:$0x1DC80] =	vst v63  }
0xc9: {  	p2 =	por $0x0, $0x0;
	_ =	swait.ge [sflag:s26], $0x4000  }
0xca: {  	s7 =	sadd.s32 @!p2 $0x0, s22;
	s6 =	simm.s32 @!p2 $0x0;
	[sflag:s26] =	ssyncset.done $0x0  }
0xcb: {  	s8 =	sadd.s32 @!p2 $0x1000, s7;
	s9 =	simm.s32 @!p2 $0x13C80;
	[sflag:s26] =	ssyncadd.s32 $0xFFFFC000  }
0xcc: {  	[tilespmem:s9], [sflag:$0x1] =	stream.linear.gather @!p2 [hbm4b:s8+s6], $0x80, $0x38;
	[tilespmem:$0x1DC80] =	vst v63  }
0xcd: {  	s8 =	sadd.s32 @!p2 $0x0, s4  }
0xce: {  	s9 =	simm.s32 @!p2 $0x14080;
	s10 =	sadd.s32 @!p2 $0x1000, s8  }
0xcf: {  	[tilespmem:s9], [sflag:$0x9] =	stream.linear.gather @!p2 [hbm4b:s10+s6], $0x80, $0x38;
	[tilespmem:$0x1DC80] =	vst v63  }
0xd0: {  	s10 =	simm.s32 $0x3  }
0xd1: {  	_ =	swait.ge [sflag:s10], $0x80  }
0xd2: {  	[sflag:s10] =	ssyncset.done $0x0  }
0xd3: {  	[sflag:s10] =	ssyncadd.s32 $0xFFFFFF80  }
0xd4: {  	[tilespmem:s3], [sflag:$0x11] =	stream.indirect.gather [hbm4b:s1+s0], $0x80, s19, s0, $0xb8;
	[tilespmem:$0x1DC80] =	vst v63  }
0xd5: {  	_ =	swait.ge [sflag:s5], $0x4000  }
0xd6: {  	[sflag:s5] =	ssyncset.done $0x0  }
0xd7: {  	s10 =	simm.s32 $0xB;
	[sflag:s5] =	ssyncadd.s32 $0xFFFFC000  }
0xd8: {  	_ =	swait.ge [sflag:s10], $0x80  }
0xd9: {  	[sflag:s10] =	ssyncset.done $0x0  }
0xda: {  	[sflag:s10] =	ssyncadd.s32 $0xFFFFFF80  }
0xdb: {  	[spmem:s2] =	stream.indirect.scatter.add.f32 [tilespmem:s3], [sflag:$0x13], $0x80, s11, s0, $0xb8;
	[tilespmem:$0x1DC80] =	vst v63  }
0xdc: {  	_ =	swait.ge [sflag:s28], $0x4000  }
0xdd: {  	[sflag:s28] =	ssyncset.done $0x0  }
0xde: {  	s9 =	sadd.s32 @!p2 $0x1200, s7;
	s10 =	simm.s32 @!p2 $0x13D00;
	[sflag:s28] =	ssyncadd.s32 $0xFFFFC000  }
0xdf: {  	[tilespmem:s10], [sflag:$0x2] =	stream.linear.gather @!p2 [hbm4b:s9+s6], $0x80, $0x38;
	[tilespmem:$0x1DC80] =	vst v63  }
0xe0: {  	s9 =	sadd.s32 @!p2 $0x1200, s8;
	s10 =	simm.s32 @!p2 $0x14100  }
0xe1: {  	[tilespmem:s10], [sflag:$0xA] =	stream.linear.gather @!p2 [hbm4b:s9+s6], $0x80, $0x38;
	[tilespmem:$0x1DC80] =	vst v63  }
0xe2: {  	s10 =	simm.s32 $0x4  }
0xe3: {  	_ =	swait.ge [sflag:s10], $0x80  }
0xe4: {  	[sflag:s10] =	ssyncset.done $0x0  }
0xe5: {  	[sflag:s10] =	ssyncadd.s32 $0xFFFFFF80  }
0xe6: {  	[tilespmem:s17], [sflag:$0x12] =	stream.indirect.gather [hbm4b:s1+s0], $0x80, s18, s0, $0xb8;
	[tilespmem:$0x1DC80] =	vst v63  }
0xe7: {  	_ =	swait.ge [sflag:s25], $0x4000  }
0xe8: {  	[sflag:s25] =	ssyncset.done $0x0  }
0xe9: {  	s18 =	simm.s32 $0xC;
	[sflag:s25] =	ssyncadd.s32 $0xFFFFC000  }
0xea: {  	_ =	swait.ge [sflag:s18], $0x80  }
0xeb: {  	[sflag:s18] =	ssyncset.done $0x0  }
0xec: {  	[sflag:s18] =	ssyncadd.s32 $0xFFFFFF80  }
0xed: {  	[spmem:s2] =	stream.indirect.scatter.add.f32 [tilespmem:s17], [sflag:$0x14], $0x80, s30, s0, $0xb8;
	[tilespmem:$0x1DC80] =	vst v63  }
0xee: {  	_ =	swait.ge [sflag:s26], $0x4000  }
0xef: {  	[sflag:s26] =	ssyncset.done $0x0  }
0xf0: {  	s9 =	sadd.s32 @!p2 $0x1400, s7;
	s10 =	simm.s32 @!p2 $0x13D80;
	[sflag:s26] =	ssyncadd.s32 $0xFFFFC000  }
0xf1: {  	[tilespmem:s10], [sflag:$0x3] =	stream.linear.gather @!p2 [hbm4b:s9+s6], $0x80, $0x38;
	[tilespmem:$0x1DC80] =	vst v63  }
0xf2: {  	s9 =	sadd.s32 @!p2 $0x1400, s8;
	s10 =	simm.s32 @!p2 $0x14180  }
0xf3: {  	[tilespmem:s10], [sflag:$0xB] =	stream.linear.gather @!p2 [hbm4b:s9+s6], $0x80, $0x38;
	[tilespmem:$0x1DC80] =	vst v63  }
0xf4: {  	s10 =	simm.s32 $0x5  }
0xf5: {  	_ =	swait.ge [sflag:s10], $0x80  }
0xf6: {  	[sflag:s10] =	ssyncset.done $0x0  }
0xf7: {  	[sflag:s10] =	ssyncadd.s32 $0xFFFFFF80  }
0xf8: {  	[tilespmem:s3], [sflag:$0x11] =	stream.indirect.gather [hbm4b:s1+s0], $0x80, s31, s0, $0xb8;
	[tilespmem:$0x1DC80] =	vst v63  }
0xf9: {  	_ =	swait.ge [sflag:s5], $0x4000  }
0xfa: {  	[sflag:s5] =	ssyncset.done $0x0  }
0xfb: {  	s18 =	simm.s32 $0xD;
	[sflag:s5] =	ssyncadd.s32 $0xFFFFC000  }
0xfc: {  	_ =	swait.ge [sflag:s18], $0x80  }
0xfd: {  	[sflag:s18] =	ssyncset.done $0x0  }
0xfe: {  	s10 =	simm.s32 $0x14280;
	[sflag:s18] =	ssyncadd.s32 $0xFFFFFF80  }
0xff: {  	[spmem:s2] =	stream.indirect.scatter.add.f32 [tilespmem:s3], [sflag:$0x13], $0x80, s10, s0, $0xb8;
	[tilespmem:$0x1DC80] =	vst v63  }
0x100: {  	_ =	swait.ge [sflag:s28], $0x4000  }
0x101: {  	[sflag:s28] =	ssyncset.done $0x0  }
0x102: {  	s9 =	sadd.s32 @!p2 $0x1600, s7;
	s10 =	simm.s32 @!p2 $0x13E00;
	[sflag:s28] =	ssyncadd.s32 $0xFFFFC000  }
0x103: {  	[tilespmem:s10], [sflag:$0x4] =	stream.linear.gather @!p2 [hbm4b:s9+s6], $0x80, $0x38;
	[tilespmem:$0x1DC80] =	vst v63  }
0x104: {  	s18 =	simm.s32 $0x6;
	s9 =	sadd.s32 @!p2 $0x1600, s8;
	s10 =	simm.s32 @!p2 $0x14200  }
0x105: {  	[tilespmem:s10], [sflag:$0xC] =	stream.linear.gather @!p2 [hbm4b:s9+s6], $0x80, $0x38;
	[tilespmem:$0x1DC80] =	vst v63  }
0x106: {  	_ =	swait.ge [sflag:s18], $0x80  }
0x107: {  	[sflag:s18] =	ssyncset.done $0x0  }
0x108: {  	s10 =	simm.s32 $0x13F00;
	[sflag:s18] =	ssyncadd.s32 $0xFFFFFF80  }
0x109: {  	[tilespmem:s17], [sflag:$0x12] =	stream.indirect.gather [hbm4b:s1+s0], $0x80, s10, s0, $0xb8;
	[tilespmem:$0x1DC80] =	vst v63  }
0x10a: {  	_ =	swait.ge [sflag:s25], $0x4000  }
0x10b: {  	[sflag:s25] =	ssyncset.done $0x0  }
0x10c: {  	s18 =	simm.s32 $0xE;
	[sflag:s25] =	ssyncadd.s32 $0xFFFFC000  }
0x10d: {  	_ =	swait.ge [sflag:s18], $0x80  }
0x10e: {  	[sflag:s18] =	ssyncset.done $0x0  }
0x10f: {  	s10 =	simm.s32 $0x14300;
	[sflag:s18] =	ssyncadd.s32 $0xFFFFFF80  }
0x110: {  	[spmem:s2] =	stream.indirect.scatter.add.f32 [tilespmem:s17], [sflag:$0x14], $0x80, s10, s0, $0xb8;
	[tilespmem:$0x1DC80] =	vst v63  }
0x111: {  	_ =	swait.ge [sflag:s26], $0x4000  }
0x112: {  	[sflag:s26] =	ssyncset.done $0x0  }
0x113: {  	s9 =	sadd.s32 @!p2 $0x1800, s7;
	s10 =	simm.s32 @!p2 $0x13E80;
	[sflag:s26] =	ssyncadd.s32 $0xFFFFC000  }
0x114: {  	[tilespmem:s10], [sflag:$0x5] =	stream.linear.gather @!p2 [hbm4b:s9+s6], $0x80, $0x38;
	[tilespmem:$0x1DC80] =	vst v63  }
0x115: {  	s18 =	simm.s32 $0x7;
	s9 =	sadd.s32 @!p2 $0x1800, s8;
	s10 =	simm.s32 @!p2 $0x14280  }
0x116: {  	[tilespmem:s10], [sflag:$0xD] =	stream.linear.gather @!p2 [hbm4b:s9+s6], $0x80, $0x38;
	[tilespmem:$0x1DC80] =	vst v63  }
0x117: {  	_ =	swait.ge [sflag:s18], $0x80  }
0x118: {  	[sflag:s18] =	ssyncset.done $0x0  }
0x119: {  	[sflag:s18] =	ssyncadd.s32 $0xFFFFFF80  }
0x11a: {  	[tilespmem:s3], [sflag:$0x11] =	stream.indirect.gather [hbm4b:s1+s0], $0x80, s12, s0, $0xb8;
	[tilespmem:$0x1DC80] =	vst v63  }
0x11b: {  	_ =	swait.ge [sflag:s5], $0x4000  }
0x11c: {  	[sflag:s5] =	ssyncset.done $0x0  }
0x11d: {  	s10 =	simm.s32 $0xF;
	[sflag:s5] =	ssyncadd.s32 $0xFFFFC000  }
0x11e: {  	_ =	swait.ge [sflag:s10], $0x80  }
0x11f: {  	[sflag:s10] =	ssyncset.done $0x0  }
0x120: {  	s11 =	simm.s32 $0x14380;
	[sflag:s10] =	ssyncadd.s32 $0xFFFFFF80  }
0x121: {  	[spmem:s2] =	stream.indirect.scatter.add.f32 [tilespmem:s3], [sflag:$0x13], $0x80, s11, s0, $0xb8;
	[tilespmem:$0x1DC80] =	vst v63  }
0x122: {  	_ =	swait.ge [sflag:s28], $0x4000  }
0x123: {  	[sflag:s28] =	ssyncset.done $0x0  }
0x124: {  	s7 =	sadd.s32 @!p2 $0x1A00, s7;
	s9 =	simm.s32 @!p2 $0x13F00;
	[sflag:s28] =	ssyncadd.s32 $0xFFFFC000  }
0x125: {  	[tilespmem:s9], [sflag:$0x6] =	stream.linear.gather @!p2 [hbm4b:s7+s6], $0x80, $0x38;
	[tilespmem:$0x1DC80] =	vst v63  }
0x126: {  	s18 =	simm.s32 $0x8;
	s7 =	sadd.s32 @!p2 $0x1A00, s8;
	s8 =	simm.s32 @!p2 $0x14300  }
0x127: {  	[tilespmem:s8], [sflag:$0xE] =	stream.linear.gather @!p2 [hbm4b:s7+s6], $0x80, $0x38;
	[tilespmem:$0x1DC80] =	vst v63  }
0x128: {  	_ =	swait.ge [sflag:s18], $0x80  }
0x129: {  	[sflag:s18] =	ssyncset.done $0x0  }
0x12a: {  	s31 =	simm.s32 $0x14000;
	[sflag:s18] =	ssyncadd.s32 $0xFFFFFF80  }
0x12b: {  	[tilespmem:s17], [sflag:$0x12] =	stream.indirect.gather [hbm4b:s1+s0], $0x80, s31, s0, $0xb8;
	[tilespmem:$0x1DC80] =	vst v63  }
0x12c: {  	_ =	swait.ge [sflag:s25], $0x4000  }
0x12d: {  	p6 =	por $0x0, $0x0;
	[sflag:s25] =	ssyncset.done $0x0  }
0x12e: {  	s21 =	simm.s32 $0x0;
	s8 =	simm.s32 $0x10;
	[sflag:s25] =	ssyncadd.s32 $0xFFFFC000  }
0x12f: {  	s30 =	simm.s32 $0x1000;
	p2 =	por p6, p6;
	_ =	swait.ge [sflag:s8], $0x80  }
0x130: {  	s7 =	simm.s32 $0x2000;
	s6 =	simm.s32 @!p2 $0x13;
	[sflag:s8] =	ssyncset.done $0x0  }
.LBB2_4:
0x131: {  	p4 =	seq.s32 s7, $0x0;
	[sflag:s8] =	ssyncadd.s32 $0xFFFFFF80;
	s10 =	simm.s32 $0x14380  }
0x132: {  	s11 =	smov.u32 s7;
	s7 =	sadd.s32 $0x1000, s7;
	s18 =	simm.s32 $0x14400  }
0x133: {  	[spmem:s2] =	stream.indirect.scatter.add.f32 [tilespmem:s17], [sflag:$0x14], $0x80, s18, s0, $0xb8;
	[tilespmem:$0x1DC80] =	vst v63  }
0x134: {  	p3 =	sne.s32 s7, $0xA000;
	_ =	swait.ge @!p2 [sflag:s6], $0x4000  }
0x135: {  	s8 =	sadd.s32 s30, s22;
	[sflag:s6] =	ssyncset.done @!p2 $0x0  }
0x136: {  	s9 =	sadd.s32 s30, s4;
	[sflag:s6] =	ssyncadd.s32 @!p2 $0xFFFFC000;
	s6 =	sadd.s32 $0xC00, s8  }
0x137: {  	[tilespmem:s12], [sflag:$0x7] =	stream.linear.gather [hbm4b:s6+s21], $0x80, $0x38;
	[tilespmem:$0x1DC80] =	vst v63  }
0x138: {  	s6 =	sadd.s32 $0xC00, s9  }
0x139: {  	[tilespmem:s10], [sflag:$0xF] =	stream.linear.gather [hbm4b:s6+s21], $0x80, $0x38;
	[tilespmem:$0x1DC80] =	vst v63  }
0x13a: {  	_ =	swait.ge [sflag:s20], $0x80  }
0x13b: {  	[sflag:s20] =	ssyncset.done $0x0  }
0x13c: {  	[sflag:s20] =	ssyncadd.s32 $0xFFFFFF80  }
0x13d: {  	[tilespmem:s3], [sflag:$0x11] =	stream.indirect.gather [hbm4b:s1+s0], $0x80, s13, s0, $0xb8;
	[tilespmem:$0x1DC80] =	vst v63  }
0x13e: {  	_ =	swait.ge [sflag:s5], $0x4000  }
0x13f: {  	[sflag:s5] =	ssyncset.done $0x0  }
0x140: {  	[sflag:s5] =	ssyncadd.s32 $0xFFFFC000  }
0x141: {  	_ =	swait.ge [sflag:s23], $0x80  }
0x142: {  	[sflag:s23] =	ssyncset.done $0x0  }
0x143: {  	s6 =	simm.s32 @!p2 $0x14;
	[sflag:s23] =	ssyncadd.s32 $0xFFFFFF80  }
0x144: {  	[spmem:s2] =	stream.indirect.scatter.add.f32 [tilespmem:s3], [sflag:$0x13], $0x80, s14, s0, $0xb8;
	[tilespmem:$0x1DC80] =	vst v63  }
0x145: {  	_ =	swait.ge @!p2 [sflag:s6], $0x4000  }
0x146: {  	[sflag:s6] =	ssyncset.done @!p2 $0x0  }
0x147: {  	[sflag:s6] =	ssyncadd.s32 @!p2 $0xFFFFC000;
	s6 =	sadd.s32 $0xE00, s8;
	p2 =	por p4, p4  }
0x148: {  	[tilespmem:s31], [sflag:$0x8] =	stream.linear.gather [hbm4b:s6+s21], $0x80, $0x38;
	[tilespmem:$0x1DC80] =	vst v63  }
0x149: {  	s6 =	sadd.s32 $0xE00, s9  }
0x14a: {  	[tilespmem:s18], [sflag:$0x10] =	stream.linear.gather [hbm4b:s6+s21], $0x80, $0x38;
	[tilespmem:$0x1DC80] =	vst v63  }
0x14b: {  	_ =	swait.ge [sflag:s24], $0x80  }
0x14c: {  	[sflag:s24] =	ssyncset.done $0x0  }
0x14d: {  	[sflag:s24] =	ssyncadd.s32 $0xFFFFFF80  }
0x14e: {  	[tilespmem:s17], [sflag:$0x12] =	stream.indirect.gather [hbm4b:s1+s0], $0x80, s15, s0, $0xb8;
	[tilespmem:$0x1DC80] =	vst v63  }
0x14f: {  	_ =	swait.ge [sflag:s25], $0x4000  }
0x150: {  	[sflag:s25] =	ssyncset.done $0x0  }
0x151: {  	[sflag:s25] =	ssyncadd.s32 $0xFFFFC000  }
0x152: {  	_ =	swait.ge [sflag:s29], $0x80  }
0x153: {  	[sflag:s29] =	ssyncset.done $0x0  }
0x154: {  	[sflag:s29] =	ssyncadd.s32 $0xFFFFFF80  }
0x155: {  	[spmem:s2] =	stream.indirect.scatter.add.f32 [tilespmem:s17], [sflag:$0x14], $0x80, s16, s0, $0xb8;
	[tilespmem:$0x1DC80] =	vst v63  }
0x156: {  	p4 =	seq.s32 s30, $0x9000;
	_ =	swait.ge [sflag:s26], $0x4000  }
0x157: {  	s8 =	simm.s32 @!p4 $0x0;
	s6 =	sadd.s32 @!p4 s30, s22;
	[sflag:s26] =	ssyncset.done $0x0  }
0x158: {  	s10 =	simm.s32 @!p4 $0x13C80;
	s9 =	sadd.s32 @!p4 $0x1000, s6;
	[sflag:s26] =	ssyncadd.s32 $0xFFFFC000  }
0x159: {  	[tilespmem:s10], [sflag:$0x1] =	stream.linear.gather @!p4 [hbm4b:s9+s8], $0x80, $0x38;
	[tilespmem:$0x1DC80] =	vst v63  }
0x15a: {  	s30 =	sadd.s32 @!p4 s30, s4;
	s16 =	sadd.s32 @!p4 $0x1200, s6;
	s9 =	simm.s32 @!p4 $0x14080  }
0x15b: {  	s18 =	sadd.s32 @!p4 $0x1200, s30;
	s14 =	sadd.s32 @!p4 $0x1400, s30;
	s10 =	sadd.s32 @!p4 $0x1000, s30  }
0x15c: {  	[tilespmem:s9], [sflag:$0x9] =	stream.linear.gather @!p4 [hbm4b:s10+s8], $0x80, $0x38;
	[tilespmem:$0x1DC80] =	vst v63  }
0x15d: {  	s10 =	simm.s32 $0x3  }
0x15e: {  	s12 =	sadd.s32 @!p4 $0x1600, s6;
	s15 =	sadd.s32 @!p4 $0x1400, s6;
	_ =	swait.ge [sflag:s10], $0x80  }
0x15f: {  	s13 =	sadd.s32 @!p4 $0x1600, s30;
	s9 =	sadd.s32 @!p4 $0x1800, s30;
	[sflag:s10] =	ssyncset.done $0x0  }
0x160: {  	s31 =	sadd.s32 @!p4 $0x1A00, s6;
	[sflag:s10] =	ssyncadd.s32 $0xFFFFFF80;
	s10 =	sadd.s32 @!p4 $0x1800, s6  }
0x161: {  	[tilespmem:s3], [sflag:$0x11] =	stream.indirect.gather [hbm4b:s1+s0], $0x80, s19, s0, $0xb8;
	[tilespmem:$0x1DC80] =	vst v63  }
0x162: {  	s6 =	sadd.s32 @!p4 $0x1A00, s30;
	s30 =	smov.u32 s11;
	_ =	swait.ge [sflag:s5], $0x4000  }
0x163: {  	[sflag:s5] =	ssyncset.done $0x0  }
0x164: {  	s11 =	simm.s32 $0xB;
	[sflag:s5] =	ssyncadd.s32 $0xFFFFC000  }
0x165: {  	_ =	swait.ge [sflag:s11], $0x80  }
0x166: {  	[sflag:s11] =	ssyncset.done $0x0  }
0x167: {  	[sflag:s11] =	ssyncadd.s32 $0xFFFFFF80;
	s11 =	simm.s32 $0x14180  }
0x168: {  	[spmem:s2] =	stream.indirect.scatter.add.f32 [tilespmem:s3], [sflag:$0x13], $0x80, s11, s0, $0xb8;
	[tilespmem:$0x1DC80] =	vst v63  }
0x169: {  	_ =	swait.ge [sflag:s28], $0x4000  }
0x16a: {  	s11 =	simm.s32 @!p4 $0x13D00;
	[sflag:s28] =	ssyncset.done $0x0  }
0x16b: {  	s19 =	simm.s32 @!p4 $0x14100;
	[sflag:s28] =	ssyncadd.s32 $0xFFFFC000  }
0x16c: {  	[tilespmem:s11], [sflag:$0x2] =	stream.linear.gather @!p4 [hbm4b:s16+s8], $0x80, $0x38;
	[tilespmem:$0x1DC80] =	vst v63  }
0x16d: {  	_ = 	snop  }
0x16e: {  	[tilespmem:s19], [sflag:$0xA] =	stream.linear.gather @!p4 [hbm4b:s18+s8], $0x80, $0x38;
	[tilespmem:$0x1DC80] =	vst v63  }
0x16f: {  	s11 =	simm.s32 $0x4;
	s18 =	simm.s32 $0x13E00;
	s19 =	simm.s32 $0x13D80  }
0x170: {  	_ =	swait.ge [sflag:s11], $0x80  }
0x171: {  	[sflag:s11] =	ssyncset.done $0x0  }
0x172: {  	[sflag:s11] =	ssyncadd.s32 $0xFFFFFF80  }
0x173: {  	[tilespmem:s17], [sflag:$0x12] =	stream.indirect.gather [hbm4b:s1+s0], $0x80, s18, s0, $0xb8;
	[tilespmem:$0x1DC80] =	vst v63  }
0x174: {  	_ =	swait.ge [sflag:s25], $0x4000  }
0x175: {  	[sflag:s25] =	ssyncset.done $0x0  }
0x176: {  	s11 =	simm.s32 $0xC;
	[sflag:s25] =	ssyncadd.s32 $0xFFFFC000  }
0x177: {  	_ =	swait.ge [sflag:s11], $0x80  }
0x178: {  	[sflag:s11] =	ssyncset.done $0x0  }
0x179: {  	[sflag:s11] =	ssyncadd.s32 $0xFFFFFF80;
	s11 =	simm.s32 $0x14200  }
0x17a: {  	[spmem:s2] =	stream.indirect.scatter.add.f32 [tilespmem:s17], [sflag:$0x14], $0x80, s11, s0, $0xb8;
	[tilespmem:$0x1DC80] =	vst v63  }
0x17b: {  	_ =	swait.ge [sflag:s26], $0x4000  }
0x17c: {  	s11 =	simm.s32 @!p4 $0x13D80;
	[sflag:s26] =	ssyncset.done $0x0  }
0x17d: {  	s16 =	simm.s32 @!p4 $0x14180;
	[sflag:s26] =	ssyncadd.s32 $0xFFFFC000  }
0x17e: {  	[tilespmem:s11], [sflag:$0x3] =	stream.linear.gather @!p4 [hbm4b:s15+s8], $0x80, $0x38;
	[tilespmem:$0x1DC80] =	vst v63  }
0x17f: {  	s15 =	simm.s32 $0x13D00;
	_ =	sdelay $0x1  }
0x180: {  	[tilespmem:s16], [sflag:$0xB] =	stream.linear.gather @!p4 [hbm4b:s14+s8], $0x80, $0x38;
	[tilespmem:$0x1DC80] =	vst v63  }
0x181: {  	s11 =	simm.s32 $0x5;
	s16 =	simm.s32 $0x14100  }
0x182: {  	_ =	swait.ge [sflag:s11], $0x80  }
0x183: {  	[sflag:s11] =	ssyncset.done $0x0  }
0x184: {  	[sflag:s11] =	ssyncadd.s32 $0xFFFFFF80;
	s11 =	simm.s32 $0x13E80  }
0x185: {  	[tilespmem:s3], [sflag:$0x11] =	stream.indirect.gather [hbm4b:s1+s0], $0x80, s11, s0, $0xb8;
	[tilespmem:$0x1DC80] =	vst v63  }
0x186: {  	_ =	swait.ge [sflag:s5], $0x4000  }
0x187: {  	[sflag:s5] =	ssyncset.done $0x0  }
0x188: {  	s11 =	simm.s32 $0xD;
	[sflag:s5] =	ssyncadd.s32 $0xFFFFC000  }
0x189: {  	_ =	swait.ge [sflag:s11], $0x80  }
0x18a: {  	[sflag:s11] =	ssyncset.done $0x0  }
0x18b: {  	[sflag:s11] =	ssyncadd.s32 $0xFFFFFF80;
	s11 =	simm.s32 $0x14280  }
0x18c: {  	[spmem:s2] =	stream.indirect.scatter.add.f32 [tilespmem:s3], [sflag:$0x13], $0x80, s11, s0, $0xb8;
	[tilespmem:$0x1DC80] =	vst v63  }
0x18d: {  	_ =	swait.ge [sflag:s28], $0x4000  }
0x18e: {  	s11 =	simm.s32 @!p4 $0x13E00;
	[sflag:s28] =	ssyncset.done $0x0  }
0x18f: {  	s14 =	simm.s32 @!p4 $0x14200;
	[sflag:s28] =	ssyncadd.s32 $0xFFFFC000  }
0x190: {  	[tilespmem:s11], [sflag:$0x4] =	stream.linear.gather @!p4 [hbm4b:s12+s8], $0x80, $0x38;
	[tilespmem:$0x1DC80] =	vst v63  }
0x191: {  	_ = 	snop  }
0x192: {  	[tilespmem:s14], [sflag:$0xC] =	stream.linear.gather @!p4 [hbm4b:s13+s8], $0x80, $0x38;
	[tilespmem:$0x1DC80] =	vst v63  }
0x193: {  	s11 =	simm.s32 $0x6;
	s14 =	simm.s32 $0x14080;
	s13 =	simm.s32 $0x13C80  }
0x194: {  	_ =	swait.ge [sflag:s11], $0x80  }
0x195: {  	[sflag:s11] =	ssyncset.done $0x0  }
0x196: {  	[sflag:s11] =	ssyncadd.s32 $0xFFFFFF80;
	s11 =	simm.s32 $0x13F00  }
0x197: {  	[tilespmem:s17], [sflag:$0x12] =	stream.indirect.gather [hbm4b:s1+s0], $0x80, s11, s0, $0xb8;
	[tilespmem:$0x1DC80] =	vst v63  }
0x198: {  	_ =	swait.ge [sflag:s25], $0x4000  }
0x199: {  	[sflag:s25] =	ssyncset.done $0x0  }
0x19a: {  	s11 =	simm.s32 $0xE;
	[sflag:s25] =	ssyncadd.s32 $0xFFFFC000  }
0x19b: {  	_ =	swait.ge [sflag:s11], $0x80  }
0x19c: {  	[sflag:s11] =	ssyncset.done $0x0  }
0x19d: {  	[sflag:s11] =	ssyncadd.s32 $0xFFFFFF80;
	s11 =	simm.s32 $0x14300  }
0x19e: {  	[spmem:s2] =	stream.indirect.scatter.add.f32 [tilespmem:s17], [sflag:$0x14], $0x80, s11, s0, $0xb8;
	[tilespmem:$0x1DC80] =	vst v63  }
0x19f: {  	_ =	swait.ge [sflag:s26], $0x4000  }
0x1a0: {  	s11 =	simm.s32 @!p4 $0x13E80;
	[sflag:s26] =	ssyncset.done $0x0  }
0x1a1: {  	s12 =	simm.s32 @!p4 $0x14280;
	[sflag:s26] =	ssyncadd.s32 $0xFFFFC000  }
0x1a2: {  	[tilespmem:s11], [sflag:$0x5] =	stream.linear.gather @!p4 [hbm4b:s10+s8], $0x80, $0x38;
	[tilespmem:$0x1DC80] =	vst v63  }
0x1a3: {  	s11 =	simm.s32 $0x14380;
	_ =	sdelay $0x1  }
0x1a4: {  	[tilespmem:s12], [sflag:$0xD] =	stream.linear.gather @!p4 [hbm4b:s9+s8], $0x80, $0x38;
	[tilespmem:$0x1DC80] =	vst v63  }
0x1a5: {  	s12 =	simm.s32 $0x13F80;
	s9 =	simm.s32 $0x7  }
0x1a6: {  	_ =	swait.ge [sflag:s9], $0x80  }
0x1a7: {  	[sflag:s9] =	ssyncset.done $0x0  }
0x1a8: {  	[sflag:s9] =	ssyncadd.s32 $0xFFFFFF80  }
0x1a9: {  	[tilespmem:s3], [sflag:$0x11] =	stream.indirect.gather [hbm4b:s1+s0], $0x80, s12, s0, $0xb8;
	[tilespmem:$0x1DC80] =	vst v63  }
0x1aa: {  	_ =	swait.ge [sflag:s5], $0x4000  }
0x1ab: {  	[sflag:s5] =	ssyncset.done $0x0  }
0x1ac: {  	s9 =	simm.s32 $0xF;
	[sflag:s5] =	ssyncadd.s32 $0xFFFFC000  }
0x1ad: {  	_ =	swait.ge [sflag:s9], $0x80  }
0x1ae: {  	[sflag:s9] =	ssyncset.done $0x0  }
0x1af: {  	[sflag:s9] =	ssyncadd.s32 $0xFFFFFF80  }
0x1b0: {  	[spmem:s2] =	stream.indirect.scatter.add.f32 [tilespmem:s3], [sflag:$0x13], $0x80, s11, s0, $0xb8;
	[tilespmem:$0x1DC80] =	vst v63  }
0x1b1: {  	_ =	swait.ge [sflag:s28], $0x4000  }
0x1b2: {  	s9 =	simm.s32 @!p4 $0x13F00;
	[sflag:s28] =	ssyncset.done $0x0  }
0x1b3: {  	s10 =	simm.s32 @!p4 $0x14300;
	[sflag:s28] =	ssyncadd.s32 $0xFFFFC000  }
0x1b4: {  	[tilespmem:s9], [sflag:$0x6] =	stream.linear.gather @!p4 [hbm4b:s31+s8], $0x80, $0x38;
	[tilespmem:$0x1DC80] =	vst v63  }
0x1b5: {  	s31 =	simm.s32 $0x14000;
	_ =	sdelay $0x1  }
0x1b6: {  	[tilespmem:s10], [sflag:$0xE] =	stream.linear.gather @!p4 [hbm4b:s6+s8], $0x80, $0x38;
	[tilespmem:$0x1DC80] =	vst v63  }
0x1b7: {  	s8 =	simm.s32 $0x10;
	s6 =	simm.s32 $0x8  }
0x1b8: {  	_ =	swait.ge [sflag:s6], $0x80  }
0x1b9: {  	[sflag:s6] =	ssyncset.done $0x0  }
0x1ba: {  	[sflag:s6] =	ssyncadd.s32 $0xFFFFFF80  }
0x1bb: {  	[tilespmem:s17], [sflag:$0x12] =	stream.indirect.gather [hbm4b:s1+s0], $0x80, s31, s0, $0xb8;
	[tilespmem:$0x1DC80] =	vst v63  }
.Ltmp1:
0x1bc: {  	_ =	swait.ge [sflag:s25], $0x4000;
	(pc) =	sbr.rel @p3 .LBB2_4-.Ltmp1, $4  }
0x1bd: {  	[sflag:s25] =	ssyncset.done $0x0  }
0x1be: {  	[sflag:s25] =	ssyncadd.s32 $0xFFFFC000  }
0x1bf: {  	_ =	swait.ge [sflag:s8], $0x80  }
0x1c0: {  	s6 =	simm.s32 @!p2 $0x13;
	[sflag:s8] =	ssyncset.done $0x0  }
0x1c1: {  	[sflag:s8] =	ssyncadd.s32 $0xFFFFFF80;
	s7 =	simm.s32 $0x14400  }
0x1c2: {  	[spmem:s2] =	stream.indirect.scatter.add.f32 [tilespmem:s17], [sflag:$0x14], $0x80, s7, s0, $0xb8;
	[tilespmem:$0x1DC80] =	vst v63  }
0x1c3: {  	_ =	swait.ge @!p2 [sflag:s6], $0x4000  }
0x1c4: {  	s7 =	sadd.s32 s30, s22;
	[sflag:s6] =	ssyncset.done @!p2 $0x0  }
0x1c5: {  	s8 =	sadd.s32 s30, s4;
	s10 =	sadd.s32 $0xC00, s7;
	[sflag:s6] =	ssyncadd.s32 @!p2 $0xFFFFC000  }
0x1c6: {  	[tilespmem:s12], [sflag:$0x7] =	stream.linear.gather [hbm4b:s10+s21], $0x80, $0x38;
	[tilespmem:$0x1DC80] =	vst v63  }
0x1c7: {  	s10 =	sadd.s32 $0xC00, s8  }
0x1c8: {  	[tilespmem:s11], [sflag:$0xF] =	stream.linear.gather [hbm4b:s10+s21], $0x80, $0x38;
	[tilespmem:$0x1DC80] =	vst v63  }
0x1c9: {  	_ =	swait.ge [sflag:s20], $0x80  }
0x1ca: {  	[sflag:s20] =	ssyncset.done $0x0  }
0x1cb: {  	[sflag:s20] =	ssyncadd.s32 $0xFFFFFF80  }
0x1cc: {  	[tilespmem:s3], [sflag:$0x11] =	stream.indirect.gather [hbm4b:s1+s0], $0x80, s13, s0, $0xb8;
	[tilespmem:$0x1DC80] =	vst v63  }
0x1cd: {  	_ =	swait.ge [sflag:s5], $0x4000  }
0x1ce: {  	[sflag:s5] =	ssyncset.done $0x0  }
0x1cf: {  	[sflag:s5] =	ssyncadd.s32 $0xFFFFC000  }
0x1d0: {  	_ =	swait.ge [sflag:s23], $0x80  }
0x1d1: {  	[sflag:s23] =	ssyncset.done $0x0  }
0x1d2: {  	s6 =	simm.s32 @!p2 $0x14;
	[sflag:s23] =	ssyncadd.s32 $0xFFFFFF80  }
0x1d3: {  	[spmem:s2] =	stream.indirect.scatter.add.f32 [tilespmem:s3], [sflag:$0x13], $0x80, s14, s0, $0xb8;
	[tilespmem:$0x1DC80] =	vst v63  }
0x1d4: {  	_ =	swait.ge @!p2 [sflag:s6], $0x4000  }
0x1d5: {  	[sflag:s6] =	ssyncset.done @!p2 $0x0  }
0x1d6: {  	s7 =	sadd.s32 $0xE00, s7;
	[sflag:s6] =	ssyncadd.s32 @!p2 $0xFFFFC000  }
0x1d7: {  	[tilespmem:s31], [sflag:$0x8] =	stream.linear.gather [hbm4b:s7+s21], $0x80, $0x38;
	[tilespmem:$0x1DC80] =	vst v63  }
0x1d8: {  	s9 =	simm.s32 $0x14400;
	s8 =	sadd.s32 $0xE00, s8  }
0x1d9: {  	[tilespmem:s9], [sflag:$0x10] =	stream.linear.gather [hbm4b:s8+s21], $0x80, $0x38;
	[tilespmem:$0x1DC80] =	vst v63  }
0x1da: {  	_ =	swait.ge [sflag:s24], $0x80  }
0x1db: {  	[sflag:s24] =	ssyncset.done $0x0  }
0x1dc: {  	[sflag:s24] =	ssyncadd.s32 $0xFFFFFF80  }
0x1dd: {  	[tilespmem:s17], [sflag:$0x12] =	stream.indirect.gather [hbm4b:s1+s0], $0x80, s15, s0, $0xb8;
	[tilespmem:$0x1DC80] =	vst v63  }
0x1de: {  	_ =	swait.ge [sflag:s25], $0x4000  }
0x1df: {  	[sflag:s25] =	ssyncset.done $0x0  }
0x1e0: {  	[sflag:s25] =	ssyncadd.s32 $0xFFFFC000  }
0x1e1: {  	_ =	swait.ge [sflag:s29], $0x80  }
0x1e2: {  	[sflag:s29] =	ssyncset.done $0x0  }
0x1e3: {  	[sflag:s29] =	ssyncadd.s32 $0xFFFFFF80  }
0x1e4: {  	[spmem:s2] =	stream.indirect.scatter.add.f32 [tilespmem:s17], [sflag:$0x14], $0x80, s16, s0, $0xb8;
	[tilespmem:$0x1DC80] =	vst v63  }
0x1e5: {  	p2 =	seq.s32 s30, $0x9000;
	_ =	swait.ge [sflag:s26], $0x4000  }
0x1e6: {  	s7 =	sadd.s32 @!p2 s30, s22;
	s6 =	simm.s32 @!p2 $0x0;
	[sflag:s26] =	ssyncset.done $0x0  }
0x1e7: {  	s8 =	sadd.s32 @!p2 $0x1000, s7;
	s9 =	simm.s32 @!p2 $0x13C80;
	[sflag:s26] =	ssyncadd.s32 $0xFFFFC000  }
0x1e8: {  	[tilespmem:s9], [sflag:$0x1] =	stream.linear.gather @!p2 [hbm4b:s8+s6], $0x80, $0x38;
	[tilespmem:$0x1DC80] =	vst v63  }
0x1e9: {  	s8 =	sadd.s32 @!p2 s30, s4  }
0x1ea: {  	s9 =	simm.s32 @!p2 $0x14080;
	s10 =	sadd.s32 @!p2 $0x1000, s8  }
0x1eb: {  	[tilespmem:s9], [sflag:$0x9] =	stream.linear.gather @!p2 [hbm4b:s10+s6], $0x80, $0x38;
	[tilespmem:$0x1DC80] =	vst v63  }
0x1ec: {  	s10 =	simm.s32 $0x3  }
0x1ed: {  	_ =	swait.ge [sflag:s10], $0x80  }
0x1ee: {  	[sflag:s10] =	ssyncset.done $0x0  }
0x1ef: {  	[sflag:s10] =	ssyncadd.s32 $0xFFFFFF80  }
0x1f0: {  	[tilespmem:s3], [sflag:$0x11] =	stream.indirect.gather [hbm4b:s1+s0], $0x80, s19, s0, $0xb8;
	[tilespmem:$0x1DC80] =	vst v63  }
0x1f1: {  	_ =	swait.ge [sflag:s5], $0x4000  }
0x1f2: {  	[sflag:s5] =	ssyncset.done $0x0  }
0x1f3: {  	s21 =	simm.s32 $0xB;
	[sflag:s5] =	ssyncadd.s32 $0xFFFFC000  }
0x1f4: {  	_ =	swait.ge [sflag:s21], $0x80  }
0x1f5: {  	[sflag:s21] =	ssyncset.done $0x0  }
0x1f6: {  	s10 =	simm.s32 $0x14180;
	[sflag:s21] =	ssyncadd.s32 $0xFFFFFF80  }
0x1f7: {  	[spmem:s2] =	stream.indirect.scatter.add.f32 [tilespmem:s3], [sflag:$0x13], $0x80, s10, s0, $0xb8;
	[tilespmem:$0x1DC80] =	vst v63  }
0x1f8: {  	_ =	swait.ge [sflag:s28], $0x4000  }
0x1f9: {  	[sflag:s28] =	ssyncset.done $0x0  }
0x1fa: {  	s9 =	sadd.s32 @!p2 $0x1200, s7;
	s10 =	simm.s32 @!p2 $0x13D00;
	[sflag:s28] =	ssyncadd.s32 $0xFFFFC000  }
0x1fb: {  	[tilespmem:s10], [sflag:$0x2] =	stream.linear.gather @!p2 [hbm4b:s9+s6], $0x80, $0x38;
	[tilespmem:$0x1DC80] =	vst v63  }
0x1fc: {  	s21 =	simm.s32 $0x4;
	s9 =	sadd.s32 @!p2 $0x1200, s8;
	s10 =	simm.s32 @!p2 $0x14100  }
0x1fd: {  	[tilespmem:s10], [sflag:$0xA] =	stream.linear.gather @!p2 [hbm4b:s9+s6], $0x80, $0x38;
	[tilespmem:$0x1DC80] =	vst v63  }
0x1fe: {  	_ =	swait.ge [sflag:s21], $0x80  }
0x1ff: {  	[sflag:s21] =	ssyncset.done $0x0  }
0x200: {  	[sflag:s21] =	ssyncadd.s32 $0xFFFFFF80  }
0x201: {  	[tilespmem:s17], [sflag:$0x12] =	stream.indirect.gather [hbm4b:s1+s0], $0x80, s18, s0, $0xb8;
	[tilespmem:$0x1DC80] =	vst v63  }
0x202: {  	_ =	swait.ge [sflag:s25], $0x4000  }
0x203: {  	[sflag:s25] =	ssyncset.done $0x0  }
0x204: {  	s10 =	simm.s32 $0xC;
	[sflag:s25] =	ssyncadd.s32 $0xFFFFC000  }
0x205: {  	_ =	swait.ge [sflag:s10], $0x80  }
0x206: {  	[sflag:s10] =	ssyncset.done $0x0  }
0x207: {  	s21 =	simm.s32 $0x14200;
	[sflag:s10] =	ssyncadd.s32 $0xFFFFFF80  }
0x208: {  	[spmem:s2] =	stream.indirect.scatter.add.f32 [tilespmem:s17], [sflag:$0x14], $0x80, s21, s0, $0xb8;
	[tilespmem:$0x1DC80] =	vst v63  }
0x209: {  	_ =	swait.ge [sflag:s26], $0x4000  }
0x20a: {  	[sflag:s26] =	ssyncset.done $0x0  }
0x20b: {  	s9 =	sadd.s32 @!p2 $0x1400, s7;
	s10 =	simm.s32 @!p2 $0x13D80;
	[sflag:s26] =	ssyncadd.s32 $0xFFFFC000  }
0x20c: {  	[tilespmem:s10], [sflag:$0x3] =	stream.linear.gather @!p2 [hbm4b:s9+s6], $0x80, $0x38;
	[tilespmem:$0x1DC80] =	vst v63  }
0x20d: {  	s9 =	sadd.s32 @!p2 $0x1400, s8;
	s10 =	simm.s32 @!p2 $0x14180  }
0x20e: {  	[tilespmem:s10], [sflag:$0xB] =	stream.linear.gather @!p2 [hbm4b:s9+s6], $0x80, $0x38;
	[tilespmem:$0x1DC80] =	vst v63  }
0x20f: {  	s10 =	simm.s32 $0x5  }
0x210: {  	_ =	swait.ge [sflag:s10], $0x80  }
0x211: {  	[sflag:s10] =	ssyncset.done $0x0  }
0x212: {  	s21 =	simm.s32 $0x13E80;
	[sflag:s10] =	ssyncadd.s32 $0xFFFFFF80  }
0x213: {  	[tilespmem:s3], [sflag:$0x11] =	stream.indirect.gather [hbm4b:s1+s0], $0x80, s21, s0, $0xb8;
	[tilespmem:$0x1DC80] =	vst v63  }
0x214: {  	_ =	swait.ge [sflag:s5], $0x4000  }
0x215: {  	[sflag:s5] =	ssyncset.done $0x0  }
0x216: {  	s10 =	simm.s32 $0xD;
	[sflag:s5] =	ssyncadd.s32 $0xFFFFC000  }
0x217: {  	_ =	swait.ge [sflag:s10], $0x80  }
0x218: {  	[sflag:s10] =	ssyncset.done $0x0  }
0x219: {  	s21 =	simm.s32 $0x14280;
	[sflag:s10] =	ssyncadd.s32 $0xFFFFFF80  }
0x21a: {  	[spmem:s2] =	stream.indirect.scatter.add.f32 [tilespmem:s3], [sflag:$0x13], $0x80, s21, s0, $0xb8;
	[tilespmem:$0x1DC80] =	vst v63  }
0x21b: {  	_ =	swait.ge [sflag:s28], $0x4000  }
0x21c: {  	[sflag:s28] =	ssyncset.done $0x0  }
0x21d: {  	s9 =	sadd.s32 @!p2 $0x1600, s7;
	s10 =	simm.s32 @!p2 $0x13E00;
	[sflag:s28] =	ssyncadd.s32 $0xFFFFC000  }
0x21e: {  	[tilespmem:s10], [sflag:$0x4] =	stream.linear.gather @!p2 [hbm4b:s9+s6], $0x80, $0x38;
	[tilespmem:$0x1DC80] =	vst v63  }
0x21f: {  	s9 =	sadd.s32 @!p2 $0x1600, s8;
	s10 =	simm.s32 @!p2 $0x14200  }
0x220: {  	[tilespmem:s10], [sflag:$0xC] =	stream.linear.gather @!p2 [hbm4b:s9+s6], $0x80, $0x38;
	[tilespmem:$0x1DC80] =	vst v63  }
0x221: {  	s10 =	simm.s32 $0x6  }
0x222: {  	_ =	swait.ge [sflag:s10], $0x80  }
0x223: {  	[sflag:s10] =	ssyncset.done $0x0  }
0x224: {  	s21 =	simm.s32 $0x13F00;
	[sflag:s10] =	ssyncadd.s32 $0xFFFFFF80  }
0x225: {  	[tilespmem:s17], [sflag:$0x12] =	stream.indirect.gather [hbm4b:s1+s0], $0x80, s21, s0, $0xb8;
	[tilespmem:$0x1DC80] =	vst v63  }
0x226: {  	_ =	swait.ge [sflag:s25], $0x4000  }
0x227: {  	[sflag:s25] =	ssyncset.done $0x0  }
0x228: {  	s10 =	simm.s32 $0xE;
	[sflag:s25] =	ssyncadd.s32 $0xFFFFC000  }
0x229: {  	_ =	swait.ge [sflag:s10], $0x80  }
0x22a: {  	[sflag:s10] =	ssyncset.done $0x0  }
0x22b: {  	s21 =	simm.s32 $0x14300;
	[sflag:s10] =	ssyncadd.s32 $0xFFFFFF80  }
0x22c: {  	[spmem:s2] =	stream.indirect.scatter.add.f32 [tilespmem:s17], [sflag:$0x14], $0x80, s21, s0, $0xb8;
	[tilespmem:$0x1DC80] =	vst v63  }
0x22d: {  	_ =	swait.ge [sflag:s26], $0x4000  }
0x22e: {  	[sflag:s26] =	ssyncset.done $0x0  }
0x22f: {  	s9 =	sadd.s32 @!p2 $0x1800, s7;
	s10 =	simm.s32 @!p2 $0x13E80;
	[sflag:s26] =	ssyncadd.s32 $0xFFFFC000  }
0x230: {  	[tilespmem:s10], [sflag:$0x5] =	stream.linear.gather @!p2 [hbm4b:s9+s6], $0x80, $0x38;
	[tilespmem:$0x1DC80] =	vst v63  }
0x231: {  	s9 =	sadd.s32 @!p2 $0x1800, s8;
	s10 =	simm.s32 @!p2 $0x14280  }
0x232: {  	[tilespmem:s10], [sflag:$0xD] =	stream.linear.gather @!p2 [hbm4b:s9+s6], $0x80, $0x38;
	[tilespmem:$0x1DC80] =	vst v63  }
0x233: {  	s10 =	simm.s32 $0x7  }
0x234: {  	_ =	swait.ge [sflag:s10], $0x80  }
0x235: {  	[sflag:s10] =	ssyncset.done $0x0  }
0x236: {  	[sflag:s10] =	ssyncadd.s32 $0xFFFFFF80  }
0x237: {  	[tilespmem:s3], [sflag:$0x11] =	stream.indirect.gather [hbm4b:s1+s0], $0x80, s12, s0, $0xb8;
	[tilespmem:$0x1DC80] =	vst v63  }
0x238: {  	_ =	swait.ge [sflag:s5], $0x4000  }
0x239: {  	[sflag:s5] =	ssyncset.done $0x0  }
0x23a: {  	s21 =	simm.s32 $0xF;
	[sflag:s5] =	ssyncadd.s32 $0xFFFFC000  }
0x23b: {  	_ =	swait.ge [sflag:s21], $0x80  }
0x23c: {  	[sflag:s21] =	ssyncset.done $0x0  }
0x23d: {  	[sflag:s21] =	ssyncadd.s32 $0xFFFFFF80  }
0x23e: {  	[spmem:s2] =	stream.indirect.scatter.add.f32 [tilespmem:s3], [sflag:$0x13], $0x80, s11, s0, $0xb8;
	[tilespmem:$0x1DC80] =	vst v63  }
0x23f: {  	_ =	swait.ge [sflag:s28], $0x4000  }
0x240: {  	[sflag:s28] =	ssyncset.done $0x0  }
0x241: {  	s7 =	sadd.s32 @!p2 $0x1A00, s7;
	s9 =	simm.s32 @!p2 $0x13F00;
	[sflag:s28] =	ssyncadd.s32 $0xFFFFC000  }
0x242: {  	[tilespmem:s9], [sflag:$0x6] =	stream.linear.gather @!p2 [hbm4b:s7+s6], $0x80, $0x38;
	[tilespmem:$0x1DC80] =	vst v63  }
0x243: {  	s7 =	sadd.s32 @!p2 $0x1A00, s8;
	s8 =	simm.s32 @!p2 $0x14300;
	s9 =	simm.s32 $0x8  }
0x244: {  	[tilespmem:s8], [sflag:$0xE] =	stream.linear.gather @!p2 [hbm4b:s7+s6], $0x80, $0x38;
	[tilespmem:$0x1DC80] =	vst v63  }
0x245: {  	_ =	swait.ge [sflag:s9], $0x80  }
0x246: {  	[sflag:s9] =	ssyncset.done $0x0  }
0x247: {  	[sflag:s9] =	ssyncadd.s32 $0xFFFFFF80  }
0x248: {  	[tilespmem:s17], [sflag:$0x12] =	stream.indirect.gather [hbm4b:s1+s0], $0x80, s31, s0, $0xb8;
	[tilespmem:$0x1DC80] =	vst v63  }
0x249: {  	_ =	swait.ge [sflag:s25], $0x4000  }
0x24a: {  	[sflag:s25] =	ssyncset.done $0x0  }
0x24b: {  	s10 =	simm.s32 $0x10;
	[sflag:s25] =	ssyncadd.s32 $0xFFFFC000  }
0x24c: {  	_ =	swait.ge [sflag:s10], $0x80  }
0x24d: {  	[sflag:s10] =	ssyncset.done $0x0  }
0x24e: {  	s20 =	simm.s32 $0x14400;
	[sflag:s10] =	ssyncadd.s32 $0xFFFFFF80  }
0x24f: {  	[spmem:s2] =	stream.indirect.scatter.add.f32 [tilespmem:s17], [sflag:$0x14], $0x80, s20, s0, $0xb8;
	[tilespmem:$0x1DC80] =	vst v63  }
0x250: {  	_ =	swait.ge [sflag:s26], $0x4000  }
0x251: {  	[sflag:s26] =	ssyncset.done $0x0  }
0x252: {  	[sflag:s26] =	ssyncadd.s32 $0xFFFFC000  }
0x253: {  	_ =	swait.ge [sflag:s28], $0x4000  }
0x254: {  	[sflag:s28] =	ssyncset.done $0x0  }
0x255: {  	[sflag:s28] =	ssyncadd.s32 $0xFFFFC000  }
0x256: {  	[bflag:$0x0] =	sbarrier.arrive $0xFFFF  }
0x257: {  	s12 =	rddreg [dreg:$0x11]  }
0x258: {  	s7 =	simm.s32 @p1 $0x1FD5;
	s8 =	rddreg [dreg:$0x16];
	s6 =	sshrl.u32 @p1 s12, $0x3  }
0x259: {  	[hbm:s8], [sflag:s7] =	dma.local @p1 [spmem:s6], $0x3000  }
0x25a: {  	s6 =	simm.s32 @p1 $0x15  }
0x25b: {  	s7 =	stileid.u32;
	_ =	swait.ge @p1 [sflag:s6], $0x3000  }
0x25c: {  	s7 =	sshll.u32 @!p1 s7, $0x6;
	[sflag:s6] =	ssyncset.done @p1 $0x0;
	s8 =	rddreg [dreg:$0x12]  }
0x25d: {  	[sflag:s6] =	ssyncadd.s32 @p1 $0xFFFFD000;
	s6 =	sor.u32 @!p1 $0x1C15, s7;
	s7 =	sshrl.u32 @!p1 s12, $0x3  }
0x25e: {  	[hbm:s8], [sflag:s6] =	dma.local @!p1 [spmem:s7], $0x2700  }
0x25f: {  	s6 =	simm.s32 @!p1 $0x15  }
0x260: {  	_ =	swait.ge @!p1 [sflag:s6], $0x2700  }
0x261: {  	s11 =	sld [smem:$0x7F9];
	_ =	sdelay $0x2  }
0x262: {  	s21 =	rddreg [dreg:$0x17];
	s20 =	sadd.s32 $0x1, s11  }
0x263: {  	p2 =	sne.s32 s20, s21  }
.Ltmp2:
0x264: {  	_ = 	snop;
	(pc) =	sbr.rel @p2 .LBB2_1-.Ltmp2, $4  }
0x265: {  	s30 =	simm.s32 $0x14200  }
0x266: {  	s9 =	simm.s32 $0x14300;
	s31 =	simm.s32 $0x13E80;
	s10 =	simm.s32 $0x14400  }
0x267: {  	s7 =	simm.s32 $0x14280;
	s8 =	simm.s32 $0x13F00;
	[sflag:s6] =	ssyncset.done @!p1 $0x0  }
0x268: {  	[sflag:s6] =	ssyncadd.s32 @!p1 $0xFFFFD900;
	s11 =	simm.s32 $0x14180;
	s21 =	simm.s32 $0x0  }
0x269: {  	_ =	sfence.sel $0x180000  }
0x26a: {  	[bflag:$0x0] =	sbarrier.arrive $0xFFFF  }
0x26b: {  	_ =	strace $0x90000047  }
0x26c: {  	s0 =	stileid.u32;
	[bflag:$0x2] =	sbarrier.arrive $0xFFFF  }
0x26d: {  	p0 =	sne.s32 s0, $0x0;
	s0 =	rddreg [dreg:$0x4]  }
0x26e: {  	s0 =	sadd.s32 @!p0 $0x100000, s0  }
0x26f: {  	[sflag:s0] =	ssyncadd.tile.s32 @!p0 $0x1;
	_ =	shalt  }
.Lfunc_end2:
_tile_overlayer_lowered:
.L_overlay_start_2:
0x270: {  	(tag) =	ssettag $0x2  }
0x271: {  	s0 =	rddreg [dreg:$0x0];
	s2 =	stileid.u32  }
0x272: {  	s1 =	rddreg [dreg:$0x1];
	p0 =	sne.s32 s2, $0x0  }
0x273: {  	s3 =	rddreg [dreg:$0x2];
	[bflag:$0x3] =	sbarrier.arrive $0xFFFF;
	s2 =	simm.s32 @!p0 $0x1C15  }
0x274: {  	[timem:s3], [sflag:s2] =	dma.local @!p0 [hbm:s0], s1  }
0x275: {  	s0 =	simm.s32 @!p0 $0x15  }
0x276: {  	_ =	swait.ge @!p0 [sflag:s0], s1  }
0x277: {  	s1 =	ssub.s32 @!p0 $0x0, s1;
	[sflag:s0] =	ssyncset.done @!p0 $0x0  }
0x278: {  	[sflag:s0] =	ssyncadd.s32 @!p0 s1  }
0x279: {  	[bflag:$0x3] =	sbarrier.arrive $0xFFFF  }
0x27a: {  	_ =	shalt  }

</sc_bundles>
